<compile_context>
chip_gen: v7x
topology: tpu7x:2x2x1
jax: 0.10.2.dev20260603
libtpu: 0.0.44.dev20260713+nightly
codegen_flags: <defaults>
</compile_context>

<pallas_src>
import functools
import numpy as np
import jax
import jax.numpy as jnp
from jax import lax
from jax.experimental import pallas as pl
from jax.experimental.pallas import tpu as pltpu
from jax.experimental.pallas import tpu_sc as plsc

_D_MODEL = 2048
_NC, _NS = 2, 16
_NW = _NC * _NS
_C = 16


def _sin_table(seq_len):
    position = jnp.arange(seq_len, dtype=jnp.float32)[:, None]
    div_term = jnp.exp(
        jnp.arange(0, _D_MODEL, 2, dtype=jnp.float32)
        * (-np.log(10000.0) / _D_MODEL)
    )
    ang = position * div_term
    pe = jnp.zeros((seq_len, _D_MODEL), dtype=jnp.float32)
    pe = pe.at[:, 0::2].set(jnp.sin(ang))
    pe = pe.at[:, 1::2].set(jnp.cos(ang))
    return pe


def kernel(x, pe_learn, mix_weight):
    B, S, D = x.shape
    rows_per_w = S // _NW
    chunks = rows_per_w // _C
    CE = _C * D

    x1 = x.reshape(B * S * D)
    sin1 = _sin_table(S).reshape(S * D)
    learn1 = pe_learn.reshape(-1)
    mw16 = jnp.full((16,), mix_weight, dtype=jnp.float32)

    mesh = plsc.VectorSubcoreMesh(core_axis_name="c", subcore_axis_name="s")

    @functools.partial(
        pl.kernel,
        out_type=jax.ShapeDtypeStruct((B * S * D,), jnp.float32),
        mesh=mesh,
        scratch_types=[
            pltpu.VMEM((CE,), jnp.float32),
            pltpu.VMEM((CE,), jnp.float32),
            pltpu.VMEM((16,), jnp.float32),
        ],
    )
    def sc_k(mw_hbm, x_hbm, sin_hbm, learn_hbm, out_hbm, av, bv, mwv):
        wid = lax.axis_index("s") * _NC + lax.axis_index("c")
        pltpu.sync_copy(mw_hbm, mwv)
        w = 1.0 / (1.0 + jnp.exp(-mwv[...]))
        wm = 1.0 - w
        seq0 = wid * rows_per_w

        def chunk_body(ci, carry):
            off = (seq0 + ci * _C) * D
            pltpu.sync_copy(sin_hbm.at[pl.ds(off, CE)], av)
            pltpu.sync_copy(learn_hbm.at[pl.ds(off, CE)], bv)

            def mix_body(i, c1):
                s = i * 64
                for u in range(4):
                    sl = pl.ds(s + u * 16, 16)
                    bv[sl] = w * av[sl] + wm * bv[sl]
                return c1

            lax.fori_loop(0, CE // 64, mix_body, 0)

            def batch_body(b, c1):
                xoff = b * (S * D) + off
                pltpu.sync_copy(x_hbm.at[pl.ds(xoff, CE)], av)

                def add_body(i, c2):
                    s = i * 64
                    for u in range(4):
                        sl = pl.ds(s + u * 16, 16)
                        av[sl] = av[sl] + bv[sl]
                    return c2

                lax.fori_loop(0, CE // 64, add_body, 0)
                pltpu.sync_copy(av, out_hbm.at[pl.ds(xoff, CE)])
                return c1

            lax.fori_loop(0, B, batch_body, 0)
            return carry

        lax.fori_loop(0, chunks, chunk_body, 0)

    out = sc_k(mw16, x1, sin1, learn1)
    return out.reshape(B, S, D)

# --- scband reference (transcript-rebuilt; emitter-appended) ---
"""Pipeline reference for scband-adaptive-positional-encoding-1941325218177 (READ-ONLY COPY).

The authoritative reference and input builder live on the scoring server;
editing this copy changes nothing except your own understanding.
"""

import jax, jax.numpy as jnp
import numpy as np

D_MODEL = 2048
MAX_LEN = 8192

def make_sin_pe(max_len, d_model):
    position = jnp.arange(max_len, dtype=jnp.float32)[:, None]
    div_term = jnp.exp(jnp.arange(0, d_model, 2, dtype=jnp.float32) * (-np.log(10000.0) / d_model))
    pe = jnp.zeros((max_len, d_model), dtype=jnp.float32)
    pe = pe.at[:, 0::2].set(jnp.sin(position * div_term))
    pe = pe.at[:, 1::2].set(jnp.cos(position * div_term))
    return pe

def setup_inputs(seed: int = 0) -> dict:
    key = jax.random.key(seed)
    k1, k2, k3 = jax.random.split(key, 3)
    x = jax.random.normal(k1, (4, 4096, D_MODEL), dtype=jnp.float32)
    pe_learn = jax.random.normal(k2, (MAX_LEN, D_MODEL), dtype=jnp.float32) * 0.1
    mix_weight = jnp.float32(0.5)
    return {"x": x, "pe_learn": pe_learn, "mix_weight": mix_weight}

def reference(x, pe_learn, mix_weight):
    # AdaptivePositionalEncoding, encoding_type='hybrid', eval mode (dropout = identity)
    seq_len = x.shape[1]
    pe_sin = make_sin_pe(MAX_LEN, D_MODEL)
    sin_encoded = x + pe_sin[:seq_len][None, :, :]
    learn_encoded = x + pe_learn[:seq_len][None, :, :]
    weight = jax.nn.sigmoid(mix_weight)
    out = weight * sin_encoded + (1.0 - weight) * learn_encoded
    return out

if __name__ == "__main__":
    import jax
    _d = setup_inputs()
    print(jax.jit(kernel)(*tuple(_d.values())))

</pallas_src>

<mosaic_0001>
#map = affine_map<(d0, d1) -> (0)>
module attributes {stable_mosaic.version = 14 : i64} {
  func.func @sc_k(%arg0: i32, %arg1: i32, %arg2: memref<16xf32, #tpu.memory_space<hbm>>, %arg3: memref<33554432xf32, #tpu.memory_space<hbm>>, %arg4: memref<8388608xf32, #tpu.memory_space<hbm>>, %arg5: memref<16777216xf32, #tpu.memory_space<hbm>>, %arg6: memref<33554432xf32, #tpu.memory_space<hbm>>, %arg7: memref<32768xf32, #tpu.memory_space<vmem>>, %arg8: memref<32768xf32, #tpu.memory_space<vmem>>, %arg9: memref<16xf32, #tpu.memory_space<vmem>>) attributes {dimension_semantics = [#tpu.dimension_semantics<core_parallel>, #tpu.dimension_semantics<subcore_parallel>], iteration_bounds = array<i64: 2, 16>, scalar_prefetch = 0 : i64, scratch_operands = 3 : i64, tpu.core_type = #tpu.core_type<sc_vector_subcore>, window_params = [{transform_indices = #map}, {transform_indices = #map}, {transform_indices = #map}, {transform_indices = #map}, {transform_indices = #map}]} {
    %mul3A = arith.constant 2 : i32
    %mul3A_0 = arith.muli %arg1, %mul3A : i32
    %add3A = arith.addi %mul3A_0, %arg0 : i32
    "tpu.region"() ({
      %run_scoped3A = tpu.sem_alloc : memref<!tpu.dma_semaphore, #tpu.memory_space<semaphore_mem>>
      tpu.enqueue_dma source(%arg2 : memref<16xf32, #tpu.memory_space<hbm>>) target(%arg9 : memref<16xf32, #tpu.memory_space<vmem>>) target_semaphore(%run_scoped3A : memref<!tpu.dma_semaphore, #tpu.memory_space<semaphore_mem>>)
      tpu.wait_dma2 semaphore(%run_scoped3A : memref<!tpu.dma_semaphore, #tpu.memory_space<semaphore_mem>>) src(%arg2 : memref<16xf32, #tpu.memory_space<hbm>>) dst(%arg9 : memref<16xf32, #tpu.memory_space<vmem>>)
      tpu.yield
    }) : () -> ()
    %get3A = arith.constant 0 : index
    %get3A_1 = tpu.vector_load %arg9[%get3A] {strides = array<i32>} : memref<16xf32, #tpu.memory_space<vmem>>, vector<16xf32>,
    %get3A_2 = vector.shape_cast %get3A_1 : vector<16xf32> to vector<16xf32>
    %neg3A = arith.constant 0.000000e+00 : f32
    %neg3A_3 = vector.broadcast %neg3A : f32 to vector<16xf32>
    %neg3A_4 = arith.subf %neg3A_3, %get3A_2 : vector<16xf32>
    %exp3A = math.exp %neg3A_4 : vector<16xf32>
    %add3A_5 = arith.constant 1.000000e+00 : f32
    %add3A_6 = vector.broadcast %add3A_5 : f32 to vector<16xf32>
    %add3A_7 = arith.addf %add3A_6, %exp3A : vector<16xf32>
    %div3A = arith.constant 1.000000e+00 : f32
    %div3A_8 = vector.broadcast %div3A : f32 to vector<16xf32>
    %div3A_9 = arith.divf %div3A_8, %add3A_7 : vector<16xf32>
    %sub3A = arith.constant 1.000000e+00 : f32
    %sub3A_10 = vector.broadcast %sub3A : f32 to vector<16xf32>
    %sub3A_11 = arith.subf %sub3A_10, %div3A_9 : vector<16xf32>
    %mul3A_12 = arith.constant 128 : i32
    %mul3A_13 = arith.muli %add3A, %mul3A_12 : i32
    %scan3A = arith.constant 0 : i32
    %scan3A_14 = arith.constant 0 : i32
    %scan3A_15 = arith.constant 8 : i32
    %scan3A_16 = arith.addi %scan3A_14, %scan3A_15 : i32
    %scan3A_17 = arith.constant 1 : i32
    scf.for %scan3A_19 = %scan3A_14 to %scan3A_16 step %scan3A_17  : i32 {
      %mul3A_20 = arith.constant 16 : i32
      %mul3A_21 = arith.muli %scan3A_19, %mul3A_20 : i32
      %add3A_22 = arith.addi %mul3A_13, %mul3A_21 : i32
      %mul3A_23 = arith.constant 2048 : i32
      %mul3A_24 = arith.muli %add3A_22, %mul3A_23 : i32
      "tpu.region"() ({
        %run_scoped3A = tpu.sem_alloc : memref<!tpu.dma_semaphore, #tpu.memory_space<semaphore_mem>>
        %dma_start3A = tpu.memref_slice %arg4[%mul3A_24] : memref<8388608xf32, #tpu.memory_space<hbm>> -> memref<32768xf32, #tpu.memory_space<hbm>>
        %dma_start3A_37 = tpu.memref_slice %arg4[%mul3A_24] : memref<8388608xf32, #tpu.memory_space<hbm>> -> memref<32768xf32, #tpu.memory_space<hbm>>
        tpu.enqueue_dma source(%dma_start3A_37 : memref<32768xf32, #tpu.memory_space<hbm>>) target(%arg7 : memref<32768xf32, #tpu.memory_space<vmem>>) target_semaphore(%run_scoped3A : memref<!tpu.dma_semaphore, #tpu.memory_space<semaphore_mem>>)
        %dma_wait3A = tpu.memref_slice %arg4[%mul3A_24] : memref<8388608xf32, #tpu.memory_space<hbm>> -> memref<32768xf32, #tpu.memory_space<hbm>>
        %dma_wait3A_38 = tpu.memref_slice %arg4[%mul3A_24] : memref<8388608xf32, #tpu.memory_space<hbm>> -> memref<32768xf32, #tpu.memory_space<hbm>>
        tpu.wait_dma2 semaphore(%run_scoped3A : memref<!tpu.dma_semaphore, #tpu.memory_space<semaphore_mem>>) src(%dma_wait3A_38 : memref<32768xf32, #tpu.memory_space<hbm>>) dst(%arg7 : memref<32768xf32, #tpu.memory_space<vmem>>)
        tpu.yield
      }) : () -> ()
      "tpu.region"() ({
        %run_scoped3A = tpu.sem_alloc : memref<!tpu.dma_semaphore, #tpu.memory_space<semaphore_mem>>
        %dma_start3A = tpu.memref_slice %arg5[%mul3A_24] : memref<16777216xf32, #tpu.memory_space<hbm>> -> memref<32768xf32, #tpu.memory_space<hbm>>
        %dma_start3A_37 = tpu.memref_slice %arg5[%mul3A_24] : memref<16777216xf32, #tpu.memory_space<hbm>> -> memref<32768xf32, #tpu.memory_space<hbm>>
        tpu.enqueue_dma source(%dma_start3A_37 : memref<32768xf32, #tpu.memory_space<hbm>>) target(%arg8 : memref<32768xf32, #tpu.memory_space<vmem>>) target_semaphore(%run_scoped3A : memref<!tpu.dma_semaphore, #tpu.memory_space<semaphore_mem>>)
        %dma_wait3A = tpu.memref_slice %arg5[%mul3A_24] : memref<16777216xf32, #tpu.memory_space<hbm>> -> memref<32768xf32, #tpu.memory_space<hbm>>
        %dma_wait3A_38 = tpu.memref_slice %arg5[%mul3A_24] : memref<16777216xf32, #tpu.memory_space<hbm>> -> memref<32768xf32, #tpu.memory_space<hbm>>
        tpu.wait_dma2 semaphore(%run_scoped3A : memref<!tpu.dma_semaphore, #tpu.memory_space<semaphore_mem>>) src(%dma_wait3A_38 : memref<32768xf32, #tpu.memory_space<hbm>>) dst(%arg8 : memref<32768xf32, #tpu.memory_space<vmem>>)
        tpu.yield
      }) : () -> ()
      %scan3A_25 = arith.constant 0 : i32
      %scan3A_26 = arith.constant 0 : i32
      %scan3A_27 = arith.constant 512 : i32
      %scan3A_28 = arith.addi %scan3A_26, %scan3A_27 : i32
      %scan3A_29 = arith.constant 1 : i32
      scf.for %scan3A_37 = %scan3A_26 to %scan3A_28 step %scan3A_29  : i32 {
        %mul3A_38 = arith.constant 64 : i32
        %mul3A_39 = arith.muli %scan3A_37, %mul3A_38 : i32
        %add3A_40 = arith.constant 0 : i32
        %add3A_41 = arith.addi %mul3A_39, %add3A_40 : i32
        %get3A_42 = arith.index_cast %add3A_41 : i32 to index
        %get3A_43 = tpu.vector_load %arg7[%get3A_42] {strides = array<i32>} : memref<32768xf32, #tpu.memory_space<vmem>>, vector<16xf32>,
        %get3A_44 = vector.shape_cast %get3A_43 : vector<16xf32> to vector<16xf32>
        %mul3A_45 = arith.mulf %div3A_9, %get3A_44 : vector<16xf32>
        %get3A_46 = arith.index_cast %add3A_41 : i32 to index
        %get3A_47 = tpu.vector_load %arg8[%get3A_46] {strides = array<i32>} : memref<32768xf32, #tpu.memory_space<vmem>>, vector<16xf32>,
        %get3A_48 = vector.shape_cast %get3A_47 : vector<16xf32> to vector<16xf32>
        %mul3A_49 = arith.mulf %sub3A_11, %get3A_48 : vector<16xf32>
        %add3A_50 = arith.addf %mul3A_45, %mul3A_49 : vector<16xf32>
        %swap3A = arith.index_cast %add3A_41 : i32 to index
        %swap3A_51 = tpu.vector_load %arg8[%swap3A] {strides = array<i32>} : memref<32768xf32, #tpu.memory_space<vmem>>, vector<16xf32>,
        %swap3A_52 = vector.shape_cast %swap3A_51 : vector<16xf32> to vector<16xf32>
        %swap3A_53 = vector.shape_cast %add3A_50 : vector<16xf32> to vector<16xf32>
        tpu.vector_store %arg8[%swap3A], %swap3A_53 {strides = array<i32>} : memref<32768xf32, #tpu.memory_space<vmem>>, vector<16xf32>,
        %add3A_54 = arith.constant 16 : i32
        %add3A_55 = arith.addi %mul3A_39, %add3A_54 : i32
        %get3A_56 = arith.index_cast %add3A_55 : i32 to index
        %get3A_57 = tpu.vector_load %arg7[%get3A_56] {strides = array<i32>} : memref<32768xf32, #tpu.memory_space<vmem>>, vector<16xf32>,
        %get3A_58 = vector.shape_cast %get3A_57 : vector<16xf32> to vector<16xf32>
        %mul3A_59 = arith.mulf %div3A_9, %get3A_58 : vector<16xf32>
        %get3A_60 = arith.index_cast %add3A_55 : i32 to index
        %get3A_61 = tpu.vector_load %arg8[%get3A_60] {strides = array<i32>} : memref<32768xf32, #tpu.memory_space<vmem>>, vector<16xf32>,
        %get3A_62 = vector.shape_cast %get3A_61 : vector<16xf32> to vector<16xf32>
        %mul3A_63 = arith.mulf %sub3A_11, %get3A_62 : vector<16xf32>
        %add3A_64 = arith.addf %mul3A_59, %mul3A_63 : vector<16xf32>
        %swap3A_65 = arith.index_cast %add3A_55 : i32 to index
        %swap3A_66 = tpu.vector_load %arg8[%swap3A_65] {strides = array<i32>} : memref<32768xf32, #tpu.memory_space<vmem>>, vector<16xf32>,
        %swap3A_67 = vector.shape_cast %swap3A_66 : vector<16xf32> to vector<16xf32>
        %swap3A_68 = vector.shape_cast %add3A_64 : vector<16xf32> to vector<16xf32>
        tpu.vector_store %arg8[%swap3A_65], %swap3A_68 {strides = array<i32>} : memref<32768xf32, #tpu.memory_space<vmem>>, vector<16xf32>,
        %add3A_69 = arith.constant 32 : i32
        %add3A_70 = arith.addi %mul3A_39, %add3A_69 : i32
        %get3A_71 = arith.index_cast %add3A_70 : i32 to index
        %get3A_72 = tpu.vector_load %arg7[%get3A_71] {strides = array<i32>} : memref<32768xf32, #tpu.memory_space<vmem>>, vector<16xf32>,
        %get3A_73 = vector.shape_cast %get3A_72 : vector<16xf32> to vector<16xf32>
        %mul3A_74 = arith.mulf %div3A_9, %get3A_73 : vector<16xf32>
        %get3A_75 = arith.index_cast %add3A_70 : i32 to index
        %get3A_76 = tpu.vector_load %arg8[%get3A_75] {strides = array<i32>} : memref<32768xf32, #tpu.memory_space<vmem>>, vector<16xf32>,
        %get3A_77 = vector.shape_cast %get3A_76 : vector<16xf32> to vector<16xf32>
        %mul3A_78 = arith.mulf %sub3A_11, %get3A_77 : vector<16xf32>
        %add3A_79 = arith.addf %mul3A_74, %mul3A_78 : vector<16xf32>
        %swap3A_80 = arith.index_cast %add3A_70 : i32 to index
        %swap3A_81 = tpu.vector_load %arg8[%swap3A_80] {strides = array<i32>} : memref<32768xf32, #tpu.memory_space<vmem>>, vector<16xf32>,
        %swap3A_82 = vector.shape_cast %swap3A_81 : vector<16xf32> to vector<16xf32>
        %swap3A_83 = vector.shape_cast %add3A_79 : vector<16xf32> to vector<16xf32>
        tpu.vector_store %arg8[%swap3A_80], %swap3A_83 {strides = array<i32>} : memref<32768xf32, #tpu.memory_space<vmem>>, vector<16xf32>,
        %add3A_84 = arith.constant 48 : i32
        %add3A_85 = arith.addi %mul3A_39, %add3A_84 : i32
        %get3A_86 = arith.index_cast %add3A_85 : i32 to index
        %get3A_87 = tpu.vector_load %arg7[%get3A_86] {strides = array<i32>} : memref<32768xf32, #tpu.memory_space<vmem>>, vector<16xf32>,
        %get3A_88 = vector.shape_cast %get3A_87 : vector<16xf32> to vector<16xf32>
        %mul3A_89 = arith.mulf %div3A_9, %get3A_88 : vector<16xf32>
        %get3A_90 = arith.index_cast %add3A_85 : i32 to index
        %get3A_91 = tpu.vector_load %arg8[%get3A_90] {strides = array<i32>} : memref<32768xf32, #tpu.memory_space<vmem>>, vector<16xf32>,
        %get3A_92 = vector.shape_cast %get3A_91 : vector<16xf32> to vector<16xf32>
        %mul3A_93 = arith.mulf %sub3A_11, %get3A_92 : vector<16xf32>
        %add3A_94 = arith.addf %mul3A_89, %mul3A_93 : vector<16xf32>
        %swap3A_95 = arith.index_cast %add3A_85 : i32 to index
        %swap3A_96 = tpu.vector_load %arg8[%swap3A_95] {strides = array<i32>} : memref<32768xf32, #tpu.memory_space<vmem>>, vector<16xf32>,
        %swap3A_97 = vector.shape_cast %swap3A_96 : vector<16xf32> to vector<16xf32>
        %swap3A_98 = vector.shape_cast %add3A_94 : vector<16xf32> to vector<16xf32>
        tpu.vector_store %arg8[%swap3A_95], %swap3A_98 {strides = array<i32>} : memref<32768xf32, #tpu.memory_space<vmem>>, vector<16xf32>,
      }
      %scan3A_30 = arith.constant 512 : i32
      %scan3A_31 = arith.constant 0 : i32
      %scan3A_32 = arith.constant 0 : i32
      %scan3A_33 = arith.constant 4 : i32
      %scan3A_34 = arith.addi %scan3A_32, %scan3A_33 : i32
      %scan3A_35 = arith.constant 1 : i32
      scf.for %scan3A_37 = %scan3A_32 to %scan3A_34 step %scan3A_35  : i32 {
        %mul3A_38 = arith.constant 8388608 : i32
        %mul3A_39 = arith.muli %scan3A_37, %mul3A_38 : i32
        %add3A_40 = arith.addi %mul3A_39, %mul3A_24 : i32
        "tpu.region"() ({
          %run_scoped3A = tpu.sem_alloc : memref<!tpu.dma_semaphore, #tpu.memory_space<semaphore_mem>>
          %dma_start3A = tpu.memref_slice %arg3[%add3A_40] : memref<33554432xf32, #tpu.memory_space<hbm>> -> memref<32768xf32, #tpu.memory_space<hbm>>
          %dma_start3A_47 = tpu.memref_slice %arg3[%add3A_40] : memref<33554432xf32, #tpu.memory_space<hbm>> -> memref<32768xf32, #tpu.memory_space<hbm>>
          tpu.enqueue_dma source(%dma_start3A_47 : memref<32768xf32, #tpu.memory_space<hbm>>) target(%arg7 : memref<32768xf32, #tpu.memory_space<vmem>>) target_semaphore(%run_scoped3A : memref<!tpu.dma_semaphore, #tpu.memory_space<semaphore_mem>>)
          %dma_wait3A = tpu.memref_slice %arg3[%add3A_40] : memref<33554432xf32, #tpu.memory_space<hbm>> -> memref<32768xf32, #tpu.memory_space<hbm>>
          %dma_wait3A_48 = tpu.memref_slice %arg3[%add3A_40] : memref<33554432xf32, #tpu.memory_space<hbm>> -> memref<32768xf32, #tpu.memory_space<hbm>>
          tpu.wait_dma2 semaphore(%run_scoped3A : memref<!tpu.dma_semaphore, #tpu.memory_space<semaphore_mem>>) src(%dma_wait3A_48 : memref<32768xf32, #tpu.memory_space<hbm>>) dst(%arg7 : memref<32768xf32, #tpu.memory_space<vmem>>)
          tpu.yield
        }) : () -> ()
        %scan3A_41 = arith.constant 0 : i32
        %scan3A_42 = arith.constant 0 : i32
        %scan3A_43 = arith.constant 512 : i32
        %scan3A_44 = arith.addi %scan3A_42, %scan3A_43 : i32
        %scan3A_45 = arith.constant 1 : i32
        scf.for %scan3A_47 = %scan3A_42 to %scan3A_44 step %scan3A_45  : i32 {
          %mul3A_48 = arith.constant 64 : i32
          %mul3A_49 = arith.muli %scan3A_47, %mul3A_48 : i32
          %add3A_50 = arith.constant 0 : i32
          %add3A_51 = arith.addi %mul3A_49, %add3A_50 : i32
          %get3A_52 = arith.index_cast %add3A_51 : i32 to index
          %get3A_53 = tpu.vector_load %arg7[%get3A_52] {strides = array<i32>} : memref<32768xf32, #tpu.memory_space<vmem>>, vector<16xf32>,
          %get3A_54 = vector.shape_cast %get3A_53 : vector<16xf32> to vector<16xf32>
          %get3A_55 = arith.index_cast %add3A_51 : i32 to index
          %get3A_56 = tpu.vector_load %arg8[%get3A_55] {strides = array<i32>} : memref<32768xf32, #tpu.memory_space<vmem>>, vector<16xf32>,
          %get3A_57 = vector.shape_cast %get3A_56 : vector<16xf32> to vector<16xf32>
          %add3A_58 = arith.addf %get3A_54, %get3A_57 : vector<16xf32>
          %swap3A = arith.index_cast %add3A_51 : i32 to index
          %swap3A_59 = tpu.vector_load %arg7[%swap3A] {strides = array<i32>} : memref<32768xf32, #tpu.memory_space<vmem>>, vector<16xf32>,
          %swap3A_60 = vector.shape_cast %swap3A_59 : vector<16xf32> to vector<16xf32>
          %swap3A_61 = vector.shape_cast %add3A_58 : vector<16xf32> to vector<16xf32>
          tpu.vector_store %arg7[%swap3A], %swap3A_61 {strides = array<i32>} : memref<32768xf32, #tpu.memory_space<vmem>>, vector<16xf32>,
          %add3A_62 = arith.constant 16 : i32
          %add3A_63 = arith.addi %mul3A_49, %add3A_62 : i32
          %get3A_64 = arith.index_cast %add3A_63 : i32 to index
          %get3A_65 = tpu.vector_load %arg7[%get3A_64] {strides = array<i32>} : memref<32768xf32, #tpu.memory_space<vmem>>, vector<16xf32>,
          %get3A_66 = vector.shape_cast %get3A_65 : vector<16xf32> to vector<16xf32>
          %get3A_67 = arith.index_cast %add3A_63 : i32 to index
          %get3A_68 = tpu.vector_load %arg8[%get3A_67] {strides = array<i32>} : memref<32768xf32, #tpu.memory_space<vmem>>, vector<16xf32>,
          %get3A_69 = vector.shape_cast %get3A_68 : vector<16xf32> to vector<16xf32>
          %add3A_70 = arith.addf %get3A_66, %get3A_69 : vector<16xf32>
          %swap3A_71 = arith.index_cast %add3A_63 : i32 to index
          %swap3A_72 = tpu.vector_load %arg7[%swap3A_71] {strides = array<i32>} : memref<32768xf32, #tpu.memory_space<vmem>>, vector<16xf32>,
          %swap3A_73 = vector.shape_cast %swap3A_72 : vector<16xf32> to vector<16xf32>
          %swap3A_74 = vector.shape_cast %add3A_70 : vector<16xf32> to vector<16xf32>
          tpu.vector_store %arg7[%swap3A_71], %swap3A_74 {strides = array<i32>} : memref<32768xf32, #tpu.memory_space<vmem>>, vector<16xf32>,
          %add3A_75 = arith.constant 32 : i32
          %add3A_76 = arith.addi %mul3A_49, %add3A_75 : i32
          %get3A_77 = arith.index_cast %add3A_76 : i32 to index
          %get3A_78 = tpu.vector_load %arg7[%get3A_77] {strides = array<i32>} : memref<32768xf32, #tpu.memory_space<vmem>>, vector<16xf32>,
          %get3A_79 = vector.shape_cast %get3A_78 : vector<16xf32> to vector<16xf32>
          %get3A_80 = arith.index_cast %add3A_76 : i32 to index
          %get3A_81 = tpu.vector_load %arg8[%get3A_80] {strides = array<i32>} : memref<32768xf32, #tpu.memory_space<vmem>>, vector<16xf32>,
          %get3A_82 = vector.shape_cast %get3A_81 : vector<16xf32> to vector<16xf32>
          %add3A_83 = arith.addf %get3A_79, %get3A_82 : vector<16xf32>
          %swap3A_84 = arith.index_cast %add3A_76 : i32 to index
          %swap3A_85 = tpu.vector_load %arg7[%swap3A_84] {strides = array<i32>} : memref<32768xf32, #tpu.memory_space<vmem>>, vector<16xf32>,
          %swap3A_86 = vector.shape_cast %swap3A_85 : vector<16xf32> to vector<16xf32>
          %swap3A_87 = vector.shape_cast %add3A_83 : vector<16xf32> to vector<16xf32>
          tpu.vector_store %arg7[%swap3A_84], %swap3A_87 {strides = array<i32>} : memref<32768xf32, #tpu.memory_space<vmem>>, vector<16xf32>,
          %add3A_88 = arith.constant 48 : i32
          %add3A_89 = arith.addi %mul3A_49, %add3A_88 : i32
          %get3A_90 = arith.index_cast %add3A_89 : i32 to index
          %get3A_91 = tpu.vector_load %arg7[%get3A_90] {strides = array<i32>} : memref<32768xf32, #tpu.memory_space<vmem>>, vector<16xf32>,
          %get3A_92 = vector.shape_cast %get3A_91 : vector<16xf32> to vector<16xf32>
          %get3A_93 = arith.index_cast %add3A_89 : i32 to index
          %get3A_94 = tpu.vector_load %arg8[%get3A_93] {strides = array<i32>} : memref<32768xf32, #tpu.memory_space<vmem>>, vector<16xf32>,
          %get3A_95 = vector.shape_cast %get3A_94 : vector<16xf32> to vector<16xf32>
          %add3A_96 = arith.addf %get3A_92, %get3A_95 : vector<16xf32>
          %swap3A_97 = arith.index_cast %add3A_89 : i32 to index
          %swap3A_98 = tpu.vector_load %arg7[%swap3A_97] {strides = array<i32>} : memref<32768xf32, #tpu.memory_space<vmem>>, vector<16xf32>,
          %swap3A_99 = vector.shape_cast %swap3A_98 : vector<16xf32> to vector<16xf32>
          %swap3A_100 = vector.shape_cast %add3A_96 : vector<16xf32> to vector<16xf32>
          tpu.vector_store %arg7[%swap3A_97], %swap3A_100 {strides = array<i32>} : memref<32768xf32, #tpu.memory_space<vmem>>, vector<16xf32>,
        }
        %scan3A_46 = arith.constant 512 : i32
        "tpu.region"() ({
          %run_scoped3A = tpu.sem_alloc : memref<!tpu.dma_semaphore, #tpu.memory_space<semaphore_mem>>
          %dma_start3A = tpu.memref_slice %arg6[%add3A_40] : memref<33554432xf32, #tpu.memory_space<hbm>> -> memref<32768xf32, #tpu.memory_space<hbm>>
          %dma_start3A_47 = tpu.memref_slice %arg6[%add3A_40] : memref<33554432xf32, #tpu.memory_space<hbm>> -> memref<32768xf32, #tpu.memory_space<hbm>>
          tpu.enqueue_dma source(%arg7 : memref<32768xf32, #tpu.memory_space<vmem>>) target(%dma_start3A_47 : memref<32768xf32, #tpu.memory_space<hbm>>) target_semaphore(%run_scoped3A : memref<!tpu.dma_semaphore, #tpu.memory_space<semaphore_mem>>)
          %dma_wait3A = tpu.memref_slice %arg6[%add3A_40] : memref<33554432xf32, #tpu.memory_space<hbm>> -> memref<32768xf32, #tpu.memory_space<hbm>>
          %dma_wait3A_48 = tpu.memref_slice %arg6[%add3A_40] : memref<33554432xf32, #tpu.memory_space<hbm>> -> memref<32768xf32, #tpu.memory_space<hbm>>
          tpu.wait_dma2 semaphore(%run_scoped3A : memref<!tpu.dma_semaphore, #tpu.memory_space<semaphore_mem>>) src(%arg7 : memref<32768xf32, #tpu.memory_space<vmem>>) dst(%dma_wait3A_48 : memref<32768xf32, #tpu.memory_space<hbm>>)
          tpu.yield
        }) : () -> ()
      }
      %scan3A_36 = arith.constant 4 : i32
    }
    %scan3A_18 = arith.constant 8 : i32
    return
  }
}

</mosaic_0001>

<sc_bundles>
// kernel: kernel.3.cloned.1.call-start
scs
__scs_entry_jumppad:
0x0: {  	(pc) =	sbr.rel $0x88, $3  }
0x1: {  	(tag) =	ssettag $0x0;
	lr =	simm.s32 $0x1  }
0x2: {  	[smem:$0x3F9E] =	sst lr;
	_ =	strace $0xD0000000  }
0x3: {  	_ = 	snop  }
0x4: {  	_ = 	snop  }
0x5: {  	_ = 	snop  }
0x6: {  	_ = 	snop  }
0x7: {  	_ = 	snop  }
__scs_overlays_trampoline_lowered:
0x8: {  	[smem:$0x3FAD] =	sst s0  }
0x9: {  	[smem:$0x3FAE] =	sst s1  }
0xa: {  	[smem:$0x3FAF] =	sst s2  }
0xb: {  	[smem:$0x3FB0] =	sst s3  }
0xc: {  	[smem:$0x3FB1] =	sst s4  }
0xd: {  	[smem:$0x3FB2] =	sst s5  }
0xe: {  	[smem:$0x3FB3] =	sst s6  }
0xf: {  	[smem:$0x3FB4] =	sst s7  }
0x10: {  	[smem:$0x3FB5] =	sst s8  }
0x11: {  	[smem:$0x3FB6] =	sst s9;
	s0 =	simm.s32 @!p0 $0x0  }
0x12: {  	s1 =	sld [smem:$0x3F9C];
	s0 =	simm.s32 @p0 $0x1  }
0x13: {  	[smem:$0x3FB7] =	sst s0;
	s0 =	simm.s32 @!p1 $0x0  }
0x14: {  	s2 =	sld [smem:$0x3F9B];
	s0 =	simm.s32 @p1 $0x1  }
0x15: {  	[smem:$0x3FB8] =	sst s0;
	s0 =	simm.s32 @!p2 $0x0  }
0x16: {  	s3 =	sld [smem:$0x3FDB];
	s0 =	simm.s32 @p2 $0x1  }
0x17: {  	s4 =	simm.s32 $0x1BF5;
	[smem:$0x3FBA] =	sst s0  }
0x18: {  	s0 =	sld [smem:$0x3F9D];
	_ =	swait.ge [sflag:s4], $0x0  }
0x19: {  	s7 =	sld [smem:$0x3F9E]  }
0x1a: {  	s8 =	sadd.s32 $0xFFFFE003, lr  }
0x1b: {  	s9 =	sadd.s32 $0xFFFFFEF7, lr;
	s5 =	simm.s32 $0xFFFFFFFF;
	p2 =	slt.u32 s8, $0xFFFFF086  }
0x1c: {  	p1 =	slt.u32 s9, $0xF7A;
	s5 =	simm.s32 @!p2 $0x0  }
0x1d: {  	s5 =	simm.s32 @p1 $0x1;
	p0 =	seq.s32 s7, s2  }
0x1e: {  	s7 =	smul.u32 @!p0 $0xF7A, s2;
	p2 =	seq.s32 @!p0 s5, $0x0  }
0x1f: {  	s9 =	smul.u32 $0xF7A, s1;
	s8 =	simm.s32 @!p0 $0x1BF5;
	p2 =	por !p2, p0  }
0x20: {  	[sflag:s8] =	ssyncset.s32 @!p0 $0xFFFFF086;
	s6 =	sadd.s32 @!p0 s3, s7;
	s7 =	simm.s32 @!p0 $0x108  }
0x21: {  	s3 =	sadd.s32 s3, s9;
	s6 =	sadd.s32 @!p0 $0x88, s6;
	s7 =	simm.s32 @p2 $0x1082  }
0x22: {  	[simem:s7], [sflag:s8] =	dma.local @!p0 [hbm:s6], $0xF7A  }
0x23: {  	s9 =	sor.u32 $0xD0000000, s2;
	s6 =	simm.s32 $0x108;
	_ =	swait.ge @!p0 [sflag:s8], $0x0  }
0x24: {  	s3 =	sadd.s32 $0x88, s3;
	s6 =	simm.s32 @!p1 $0x1082;
	[sflag:s4] =	ssyncset.s32 $0xFFFFF086  }
0x25: {  	[simem:s6], [sflag:s4] =	dma.local [hbm:s3], $0xF7A  }
0x26: {  	[smem:$0x3F9E] =	sst s1;
	(tag) =	ssettag s2;
	_ =	strace s9  }
0x27: {  	s1 =	sld [smem:$0x3FAE]  }
0x28: {  	s2 =	sld [smem:$0x3FAF]  }
0x29: {  	s4 =	sld [smem:$0x3FB1]  }
0x2a: {  	p0 =	seq.s32 s5, $0x0;
	s5 =	sld [smem:$0x3FB2]  }
0x2b: {  	s6 =	sld [smem:$0x3FB3]  }
0x2c: {  	s7 =	sld [smem:$0x3FB4]  }
0x2d: {  	s3 =	simm.s32 $0x108;
	s8 =	sld [smem:$0x3FB5]  }
0x2e: {  	s3 =	simm.s32 @!p0 $0x1082;
	s9 =	sld [smem:$0x3FB6]  }
0x2f: {  	lr =	sadd.s32 s0, s3;
	s0 =	sld [smem:$0x3FAD]  }
0x30: {  	s3 =	sld [smem:$0x3FB0]  }
0x31: {  	[smem:$0x3FB9] =	sst s10  }
0x32: {  	s10 =	sld [smem:$0x3FB7];
	_ =	sdelay $0x3  }
0x33: {  	p0 =	seq.s32 s10, $0x1;
	s10 =	sld [smem:$0x3FB9];
	_ =	sdelay $0x3  }
0x34: {  	[smem:$0x3FB9] =	sst s10  }
0x35: {  	s10 =	sld [smem:$0x3FB8];
	_ =	sdelay $0x3  }
0x36: {  	p1 =	seq.s32 s10, $0x1;
	s10 =	sld [smem:$0x3FB9];
	_ =	sdelay $0x3  }
0x37: {  	[smem:$0x3FB9] =	sst s10  }
0x38: {  	s10 =	sld [smem:$0x3FBA]  }
0x39: {  	_ = 	snop;
	(pc) =	sbr.ind lr, $3  }
0x3a: {  	_ = 	snop  }
0x3b: {  	_ = 	snop  }
0x3c: {  	p2 =	seq.s32 s10, $0x1;
	s10 =	sld [smem:$0x3FB9]  }
0x3d: {  	_ =	shalt  }
0x3e: {  	_ =	shalt  }
0x3f: {  	_ =	shalt  }
0x40: {  	_ =	shalt  }
0x41: {  	_ =	shalt  }
0x42: {  	_ =	shalt  }
0x43: {  	_ =	shalt  }
0x44: {  	_ =	shalt  }
0x45: {  	_ =	shalt  }
0x46: {  	_ =	shalt  }
0x47: {  	_ =	shalt  }
0x48: {  	_ =	shalt  }
0x49: {  	_ =	shalt  }
0x4a: {  	_ =	shalt  }
0x4b: {  	_ =	shalt  }
0x4c: {  	_ =	shalt  }
0x4d: {  	_ =	shalt  }
0x4e: {  	_ =	shalt  }
0x4f: {  	_ =	shalt  }
0x50: {  	_ =	shalt  }
0x51: {  	_ =	shalt  }
0x52: {  	_ =	shalt  }
0x53: {  	_ =	shalt  }
0x54: {  	_ =	shalt  }
0x55: {  	_ =	shalt  }
0x56: {  	_ =	shalt  }
0x57: {  	_ =	shalt  }
0x58: {  	_ =	shalt  }
0x59: {  	_ =	shalt  }
0x5a: {  	_ =	shalt  }
0x5b: {  	_ =	shalt  }
0x5c: {  	_ =	shalt  }
0x5d: {  	_ =	shalt  }
0x5e: {  	_ =	shalt  }
0x5f: {  	_ =	shalt  }
0x60: {  	_ =	shalt  }
0x61: {  	_ =	shalt  }
0x62: {  	_ =	shalt  }
0x63: {  	_ =	shalt  }
0x64: {  	_ =	shalt  }
0x65: {  	_ =	shalt  }
0x66: {  	_ =	shalt  }
0x67: {  	_ =	shalt  }
0x68: {  	_ =	shalt  }
0x69: {  	_ =	shalt  }
0x6a: {  	_ =	shalt  }
0x6b: {  	_ =	shalt  }
0x6c: {  	_ =	shalt  }
0x6d: {  	_ =	shalt  }
0x6e: {  	_ =	shalt  }
0x6f: {  	_ =	shalt  }
0x70: {  	_ =	shalt  }
0x71: {  	_ =	shalt  }
0x72: {  	_ =	shalt  }
0x73: {  	_ =	shalt  }
0x74: {  	_ =	shalt  }
0x75: {  	_ =	shalt  }
0x76: {  	_ =	shalt  }
0x77: {  	_ =	shalt  }
0x78: {  	_ =	shalt  }
0x79: {  	_ =	shalt  }
0x7a: {  	_ =	shalt  }
0x7b: {  	_ =	shalt  }
0x7c: {  	_ =	shalt  }
0x7d: {  	_ =	shalt  }
0x7e: {  	_ =	shalt  }
0x7f: {  	_ =	shalt  }
0x80: {  	_ =	shalt  }
0x81: {  	_ =	shalt  }
0x82: {  	_ =	shalt  }
0x83: {  	_ =	shalt  }
0x84: {  	_ =	shalt  }
0x85: {  	_ =	shalt  }
0x86: {  	_ =	shalt  }
0x87: {  	_ =	shalt  }
.Lfunc_end0:
.L_simem_size_0:
called_computation.4_lowered:
.L_overlay_start_0:
0x88: {  	s2 =	sld [smem:$0x3FD9]  }
0x89: {  	s3 =	sld [smem:$0x3FFE];
	_ =	sdelay $0x1  }
0x8a: {  	s1 =	srdreg.scid  }
0x8b: {  	s0 =	sand.u32 $0x1, s1  }
0x8c: {  	s17 =	sshll.u32 s0, $0xA;
	s2 =	sadd.s32 s3, s2  }
0x8d: {  	s2 =	sadd.s32 s2, s17  }
0x8e: {  	[smem:$0x3FC5] =	sst s2  }
0x8f: {  	_ = 	snop  }
0x90: {  	s2 =	sld [smem:$0x3FD0];
	(tm) =	ssettm $0x1  }
0x91: {  	s18 =	sld [smem:$0x3FFB];
	_ =	sdelay $0x3  }
0x92: {  	_ =	strace s18  }
0x93: {  	s3 =	sld [smem:$0x3FFC];
	_ =	sdelay $0x3  }
0x94: {  	_ =	strace s3  }
0x95: {  	s3 =	sld [smem:$0x3FFD];
	_ =	sdelay $0x3  }
0x96: {  	_ =	strace s3  }
0x97: {  	_ =	strace $0x8FFFFFFF  }
0x98: {  	s19 =	sld [smem:$0x3FDB];
	_ =	sdelay $0x1  }
0x99: {  	s4 =	simm.s32 $_scs_section_size  }
0x9a: {  	s5 =	simm.s32 $_size__tile_overlayer_lowered;
	s6 =	simm.s32 $_tile_overlayer_lowered  }
0x9b: {  	s22 =	simm.s32 $0x1BFF;
	s21 =	sshll.u32 s6, $0x1;
	s3 =	sadd.s32 s4, s19  }
0x9c: {  	s7 =	simm.s32 $0x0;
	s20 =	sshll.u32 s5, $0x1;
	s5 =	sadd.s32 s21, s3  }
0x9d: {  	[timem:s7], [sflag:s22] =	dma.local [hbm:s5], s20  }
0x9e: {  	_ =	swait.ge [sflag:s22], s20  }
0x9f: {  	s4 =	ssub.s32 $0x0, s20;
	[sflag:s22] =	ssyncset.done $0x0  }
0xa0: {  	[sflag:s22] =	ssyncadd.s32 s4;
	_ =	sdelay $0x1  }
0xa1: {  	s23 =	simm.s32 $0x1B8B  }
0xa2: {  	_ =	swait.ge [sflag:s23], $0x1  }
0xa3: {  	[sflag:s23] =	ssyncset.done $0x0  }
0xa4: {  	s25 =	simm.s32 $0x1B8E;
	s24 =	sld [smem:$0x3FFE];
	[sflag:s23] =	ssyncadd.s32 $0xFFFFFFFF  }
0xa5: {  	s26 =	simm.s32 $execute0_lowered;
	[smem:$0x3FD2] =	sst s25  }
0xa6: {  	s5 =	sshll.u32 s26, $0x1;
	_ =	strace $0x80000052;
	[dreg:$0x1] =	wrdreg $0xFFFFFFFF  }
0xa7: {  	s28 =	simm.s32 $_size_execute0_lowered;
	s3 =	sadd.s32 s3, s5;
	[dreg:$0x0] =	wrdreg $0x0  }
0xa8: {  	s5 =	sshll.u32 s28, $0x1;
	[dreg:$0x2] =	wrdreg s3  }
0xa9: {  	[dreg:$0x3] =	wrdreg s5  }
0xaa: {  	[dreg:$0x4] =	wrdreg $0xC0  }
0xab: {  	_ =	task [dreg:s7], $0x5FFFF  }
0xac: {  	[dreg:$0x1] =	wrdreg $0xFFFFFFFF  }
0xad: {  	[dreg:$0x0] =	wrdreg $0x60  }
0xae: {  	[dreg:$0x2] =	wrdreg s24  }
0xaf: {  	[dreg:$0x3] =	wrdreg s2  }
0xb0: {  	[dreg:$0x4] =	wrdreg $0x9  }
0xb1: {  	_ =	task.clear_ibuf [dreg:s7], $0x5FFFF;
	_ =	strace $0x90000052  }
0xb2: {  	s29 =	simm.s32 $0x9;
	_ =	strace $0x80000054  }
0xb3: {  	_ =	swait.ge [sflag:s29], $0x1  }
0xb4: {  	[sflag:s29] =	ssyncadd.s32 $0xFFFFFFFF  }
0xb5: {  	_ =	strace $0x90000054  }
0xb6: {  	_ =	sfence  }
0xb7: {  	s30 =	sld [smem:$0x0];
	_ =	sdelay $0x2  }
0xb8: {  	s31 =	sshll.u32 s1, $0xD;
	s1 =	sshrl.u32 s1, $0x2  }
0xb9: {  	s3 =	sand.u32 $0x4000, s31;
	s1 =	sadd.s32 s1, s30  }
0xba: {  	s0 =	sor.u32 s3, s0;
	s1 =	sshll.u32 s1, $0x11  }
0xbb: {  	s0 =	sor.u32 s1, s0  }
0xbc: {  	s0 =	sadd.s32 $0x8F2B, s0  }
0xbd: {  	[sflag:s0] =	ssyncadd.remote.s32 $0x1  }
0xbe: {  	_ =	sfence.sel $0xFFFF  }
0xbf: {  	[dreg:$0x0] =	wrdreg $0xFFFFFFFF;
	(pc) =	sbr.abs _section_cstart, $3  }
0xc0: {  	[dreg:$0x1] =	wrdreg $0xFFFFFFFF  }
0xc1: {  	_ =	task.clear_ibuf [dreg:s7], $0x2FFFF;
	_ =	strace $0x9FFFFFFF  }
0xc2: {  	(tm) =	ssettm $0x7FFFFFFF  }
0xc3: {  	_ =	shalt  }
tec
execute0_lowered:
.L_overlay_start_1:
0x0: {  	(tag) =	ssettag $0x1  }
0x1: {  	s4 =	rddreg [dreg:$0x0]  }
0x2: {  	s1 =	rddreg [dreg:$0x1]  }
0x3: {  	s0 =	rddreg [dreg:$0x2]  }
0x4: {  	s2 =	simm.s32 $0x0;
	s5 =	srdreg.scid;
	s11 =	simm.s32 $0x1  }
0x5: {  	s12 =	simm.s32 $0x8000;
	s13 =	simm.s32 $0x0;
	[smem:$0x7FF] =	sst s2  }
0x6: {  	s3 =	sadd.s32 $0xE00, s4;
	s8 =	sand.u32 $0x1, s5;
	s5 =	sadd.s32 $0x100E00, s4  }
0x7: {  	s6 =	sadd.s32 $0x200E00, s4;
	s7 =	sadd.s32 $0x400E00, s4;
	s9 =	ssub.s32 $0x2, s8  }
0x8: {  	s4 =	stileid.u32;
	_ =	strace $0x80000053;
	s10 =	sshrl.u32 s9, $0x1  }
0x9: {  	s31 =	sshll.u32 s4, $0x13;
	s8 =	sshll.u32 s8, $0x12;
	s9 =	ssub.s32 s9, s10  }
0xa: {  	s8 =	sor.u32 s8, s31;
	s10 =	simm.s32 $0x10000;
	s9 =	smax.u32 s9, $0x1  }
.LBB2_1:
0xb: {  	[tilespmem:s10], [sflag:$0x1] =	stream.linear.gather [hbm4b:s3+s2], $0x80, $0x38;
	[tilespmem:$0x10080] =	vst v63  }
0xc: {  	_ =	swait.ge [sflag:s11], $0x80  }
0xd: {  	[sflag:s11] =	ssyncset.done $0x0  }
0xe: {  	[sflag:s11] =	ssyncadd.s32 $0xFFFFFF80  }
0xf: {  	v0 =	vld [tilespmem:$0x10000];
	_ =	sdelay $0x4  }
0x10: {  	v0 =	vsub.f32 $0.0e+00, v0;
	_ =	sdelay $0x1  }
0x11: {  	v0 =	vmul.f32 $1.442695020e+00, v0;
	_ =	sdelay $0x1  }
0x12: {  	(erf) = vpow2.f32 v0;
	_ =	sdelay $0x8  }
0x13: {  	v0 =	vpop (erf)  }
0x14: {  	v0 =	vadd.f32 $1.000000000e+00, v0;
	_ =	sdelay $0x1  }
0x15: {  	(erf) = vrcp.f32 v0;
	_ =	sdelay $0x8  }
0x16: {  	v0 =	vpop (erf)  }
0x17: {  	s14 =	simm.s32 $0x0;
	v1 =	vsub.f32 $1.000000000e+00, v0  }
.LBB2_2:
0x18: {  	s15 =	sshll.u32 s14, $0xF  }
0x19: {  	s15 =	sadd.s32 s8, s15  }
0x1a: {  	s17 =	sshrl.u32 s15, $0x3  }
0x1b: {  	s16 =	simm.s32 $0x0;
	s18 =	sadd.s32 s5, s17  }
0x1c: {  	[tilespmem:s16], [sflag:$0x1] =	stream.linear.gather [hbm4b:s18+s16], $0x8000, $0x38;
	[tilespmem:$0x10080] =	vst v63  }
0x1d: {  	_ =	swait.ge [sflag:s11], $0x8000  }
0x1e: {  	[sflag:s11] =	ssyncset.done $0x0  }
0x1f: {  	s17 =	sadd.s32 s6, s17;
	[sflag:s11] =	ssyncadd.s32 $0xFFFF8000  }
0x20: {  	[tilespmem:s12], [sflag:$0x1] =	stream.linear.gather [hbm4b:s17+s16], $0x8000, $0x38;
	[tilespmem:$0x10080] =	vst v63  }
0x21: {  	_ =	swait.ge [sflag:s11], $0x8000  }
0x22: {  	[sflag:s11] =	ssyncset.done $0x0  }
0x23: {  	s17 =	simm.s32 $0x0;
	[sflag:s11] =	ssyncadd.s32 $0xFFFF8000  }
0x24: {  	v5 =	vld [tilespmem:s17+$0x0]  }
0x25: {  	v4 =	vld [tilespmem:s17+$0x10]  }
0x26: {  	v3 =	vld [tilespmem:s17+$0x20]  }
0x27: {  	v2 =	vld [tilespmem:s17+$0x30]  }
0x28: {  	v8 =	vld [tilespmem:s17+$0x8000]  }
0x29: {  	v7 =	vld [tilespmem:s17+$0x8010]  }
0x2a: {  	s18 =	simm.s32 $0x100;
	v6 =	vld [tilespmem:s17+$0x8020]  }
.LBB2_3:
0x2b: {  	p0 =	sne.s32 s18, $0x1FF00;
	v9 =	vld [tilespmem:s17+$0x8030];
	_ =	sdelay $0x1  }
0x2c: {  	s19 =	sshra.s32 s18, $0x2;
	v10 =	vmul.f32 v5, v0;
	v8 =	vmul.f32 v8, v1  }
0x2d: {  	v11 =	vmul.f32 v4, v0;
	v5 =	vld [tilespmem:s19+$0x0];
	v7 =	vmul.f32 v7, v1  }
0x2e: {  	v4 =	vld [tilespmem:s19+$0x10];
	v8 =	vadd.f32 v8, v10;
	v10 =	vmul.f32 v3, v0;
	v6 =	vmul.f32 v6, v1  }
.Ltmp0:
0x2f: {  	v3 =	vld [tilespmem:s19+$0x20];
	v7 =	vadd.f32 v7, v11;
	v11 =	vmul.f32 v2, v0;
	v9 =	vmul.f32 v9, v1;
	(pc) =	sbr.rel @p0 .LBB2_3-.Ltmp0, $4  }
0x30: {  	v2 =	vld [tilespmem:s19+$0x30];
	[tilespmem:s17+$0x8000] =	vst v8;
	v6 =	vadd.f32 v6, v10  }
0x31: {  	v8 =	vld [tilespmem:s19+$0x8000];
	[tilespmem:s17+$0x8010] =	vst v7;
	v9 =	vadd.f32 v9, v11  }
0x32: {  	v7 =	vld [tilespmem:s19+$0x8010];
	[tilespmem:s17+$0x8020] =	vst v6  }
0x33: {  	s18 =	sadd.s32 $0x100, s18;
	v6 =	vld [tilespmem:s19+$0x8020];
	[tilespmem:s17+$0x8030] =	vst v9;
	s17 =	smov.u32 s19  }
0x34: {  	v9 =	vld [tilespmem:s17+$0x8030];
	_ =	sdelay $0x1  }
0x35: {  	v5 =	vmul.f32 v5, v0;
	v8 =	vmul.f32 v8, v1  }
0x36: {  	v4 =	vmul.f32 v4, v0;
	v7 =	vmul.f32 v7, v1  }
0x37: {  	v3 =	vmul.f32 v3, v0;
	v5 =	vadd.f32 v8, v5;
	v6 =	vmul.f32 v6, v1  }
0x38: {  	v2 =	vmul.f32 v2, v0;
	v4 =	vadd.f32 v7, v4;
	v63 =	vmul.f32 v9, v1  }
0x39: {  	[tilespmem:s17+$0x8000] =	vst v5;
	v3 =	vadd.f32 v6, v3  }
0x3a: {  	[tilespmem:s17+$0x8010] =	vst v4;
	v2 =	vadd.f32 v63, v2  }
0x3b: {  	[tilespmem:s17+$0x8020] =	vst v3  }
0x3c: {  	[tilespmem:s17+$0x8030] =	vst v2  }
.LBB2_5:
0x3d: {  	s17 =	sshll.u32 s16, $0x17  }
0x3e: {  	s17 =	sadd.s32 s15, s17  }
0x3f: {  	s17 =	sshrl.u32 s17, $0x3  }
0x40: {  	s19 =	simm.s32 $0x0;
	s18 =	sadd.s32 s1, s17  }
0x41: {  	[tilespmem:s19], [sflag:$0x1] =	stream.linear.gather [hbm4b:s18+s19], $0x8000, $0x38;
	[tilespmem:$0x10080] =	vst v63  }
0x42: {  	_ =	swait.ge [sflag:s11], $0x8000  }
0x43: {  	[sflag:s11] =	ssyncset.done $0x0  }
0x44: {  	s18 =	simm.s32 $0x0;
	[sflag:s11] =	ssyncadd.s32 $0xFFFF8000  }
0x45: {  	v7 =	vld [tilespmem:s18+$0x8000]  }
0x46: {  	v8 =	vld [tilespmem:s18+$0x8010]  }
0x47: {  	v3 =	vld [tilespmem:s18+$0x8020]  }
0x48: {  	v2 =	vld [tilespmem:s18+$0x8030]  }
0x49: {  	v4 =	vld [tilespmem:s18+$0x0]  }
0x4a: {  	v6 =	vld [tilespmem:s18+$0x10]  }
0x4b: {  	s19 =	simm.s32 $0x100;
	v5 =	vld [tilespmem:s18+$0x20]  }
.LBB2_6:
0x4c: {  	s20 =	sshra.s32 s19, $0x2;
	p0 =	sne.s32 s19, $0x1FF00;
	v9 =	vld [tilespmem:s18+$0x30];
	v10 =	vmov v3  }
0x4d: {  	v11 =	vld [tilespmem:s20+$0x8000];
	v12 =	vmov v2  }
0x4e: {  	v13 =	vld [tilespmem:s20+$0x8010];
	v4 =	vadd.f32 v7, v4  }
.Ltmp1:
0x4f: {  	v3 =	vld [tilespmem:s20+$0x8020];
	v6 =	vadd.f32 v8, v6;
	(pc) =	sbr.rel @p0 .LBB2_6-.Ltmp1, $4  }
0x50: {  	v2 =	vld [tilespmem:s20+$0x8030];
	[tilespmem:s18+$0x0] =	vst v4;
	v5 =	vadd.f32 v10, v5  }
0x51: {  	v4 =	vld [tilespmem:s20+$0x0];
	[tilespmem:s18+$0x10] =	vst v6;
	v9 =	vadd.f32 v12, v9  }
0x52: {  	v6 =	vld [tilespmem:s20+$0x10];
	[tilespmem:s18+$0x20] =	vst v5;
	v7 =	vmov v11  }
0x53: {  	s19 =	sadd.s32 $0x100, s19;
	v5 =	vld [tilespmem:s20+$0x20];
	[tilespmem:s18+$0x30] =	vst v9;
	v8 =	vmov v13;
	s18 =	smov.u32 s20  }
0x54: {  	v9 =	vld [tilespmem:s18+$0x30];
	_ =	sdelay $0x1  }
0x55: {  	v4 =	vadd.f32 v7, v4  }
0x56: {  	v6 =	vadd.f32 v8, v6  }
0x57: {  	[tilespmem:s18+$0x0] =	vst v4;
	v3 =	vadd.f32 v3, v5  }
0x58: {  	s16 =	sadd.s32 $0x1, s16;
	[tilespmem:s18+$0x10] =	vst v6;
	v2 =	vadd.f32 v2, v9  }
0x59: {  	p0 =	sne.s32 s16, $0x4;
	[tilespmem:s18+$0x20] =	vst v3  }
.Ltmp2:
0x5a: {  	s17 =	sadd.s32 s7, s17;
	[tilespmem:s18+$0x30] =	vst v2;
	(pc) =	sbr.rel @p0 .LBB2_5-.Ltmp2, $4  }
0x5b: {  	[hbm4b:s17+s2] =	stream.linear.scatter [tilespmem:s2], [sflag:$0x1], $0x8000, $0x38;
	[tilespmem:$0x10080] =	vst v63  }
0x5c: {  	_ =	swait.ge [sflag:s11], $0x8000  }
0x5d: {  	[sflag:s11] =	ssyncset.done $0x0  }
0x5e: {  	[sflag:s11] =	ssyncadd.s32 $0xFFFF8000  }
0x5f: {  	s14 =	sadd.s32 $0x1, s14  }
0x60: {  	p0 =	sne.s32 s14, $0x8  }
.Ltmp3:
0x61: {  	_ = 	snop;
	(pc) =	sbr.rel @p0 .LBB2_2-.Ltmp3, $1  }
0x62: {  	_ =	sdelay $0x3  }
0x63: {  	s13 =	sadd.s32 $0x1, s13  }
0x64: {  	p0 =	sne.s32 s13, s9  }
.Ltmp4:
0x65: {  	_ = 	snop;
	(pc) =	sbr.rel @p0 .LBB2_1-.Ltmp4, $1  }
0x66: {  	_ =	sdelay $0x3  }
0x67: {  	_ =	sfence.sel $0x180000  }
0x68: {  	[bflag:$0x0] =	sbarrier.arrive $0xFFFF  }
0x69: {  	p0 =	sne.s32 s4, $0x0;
	_ =	strace $0x90000053  }
0x6a: {  	s0 =	sadd.s32 @!p0 $0x100000, s0;
	[bflag:$0x2] =	sbarrier.arrive $0xFFFF  }
0x6b: {  	[sflag:s0] =	ssyncadd.tile.s32 @!p0 $0x1;
	_ =	shalt  }
.Lfunc_end2:
_tile_overlayer_lowered:
.L_overlay_start_2:
0x6c: {  	(tag) =	ssettag $0x2  }
0x6d: {  	s0 =	rddreg [dreg:$0x0];
	s2 =	stileid.u32  }
0x6e: {  	s1 =	rddreg [dreg:$0x1];
	p0 =	sne.s32 s2, $0x0  }
0x6f: {  	s3 =	rddreg [dreg:$0x2];
	[bflag:$0x3] =	sbarrier.arrive $0xFFFF;
	s2 =	simm.s32 @!p0 $0x1C01  }
0x70: {  	[timem:s3], [sflag:s2] =	dma.local @!p0 [hbm:s0], s1  }
0x71: {  	s0 =	simm.s32 @!p0 $0x1  }
0x72: {  	_ =	swait.ge @!p0 [sflag:s0], s1  }
0x73: {  	s1 =	ssub.s32 @!p0 $0x0, s1;
	[sflag:s0] =	ssyncset.done @!p0 $0x0  }
0x74: {  	[sflag:s0] =	ssyncadd.s32 @!p0 s1  }
0x75: {  	[bflag:$0x3] =	sbarrier.arrive $0xFFFF  }
0x76: {  	_ =	shalt  }

// kernel: sparse-core-data-format-call.1.cloned.1.call-start
scs
called_computation.1_lowered:
.L_overlay_start_0:
0x0: {  	s1 =	sld [smem:$0x3FD9]  }
0x1: {  	s2 =	sld [smem:$0x3FFE];
	_ =	sdelay $0x1  }
0x2: {  	s3 =	srdreg.scid  }
0x3: {  	s0 =	sand.u32 $0x1, s3  }
0x4: {  	s17 =	sshll.u32 s0, $0xA;
	s1 =	sadd.s32 s2, s1  }
0x5: {  	s1 =	sadd.s32 s1, s17  }
0x6: {  	[smem:$0x3FC5] =	sst s1  }
0x7: {  	_ = 	snop  }
0x8: {  	(tm) =	ssettm $0x1  }
0x9: {  	s18 =	sld [smem:$0x3FFB];
	_ =	sdelay $0x3  }
0xa: {  	_ =	strace s18  }
0xb: {  	s1 =	sld [smem:$0x3FFC];
	_ =	sdelay $0x3  }
0xc: {  	_ =	strace s1  }
0xd: {  	s1 =	sld [smem:$0x3FFD];
	_ =	sdelay $0x3  }
0xe: {  	_ =	strace s1  }
0xf: {  	_ =	strace $0x8FFFFFFF  }
0x10: {  	s19 =	sld [smem:$0x3FDB];
	_ =	sdelay $0x1  }
0x11: {  	s20 =	simm.s32 $_scs_section_size  }
0x12: {  	s4 =	simm.s32 $_size__tile_overlayer_lowered;
	s5 =	simm.s32 $_tile_overlayer_lowered  }
0x13: {  	s23 =	simm.s32 $0x1BFF;
	s22 =	sshll.u32 s5, $0x1;
	s1 =	sadd.s32 s20, s19  }
0x14: {  	s6 =	simm.s32 $0x0;
	s21 =	sshll.u32 s4, $0x1;
	s4 =	sadd.s32 s22, s1  }
0x15: {  	[timem:s6], [sflag:s23] =	dma.local [hbm:s4], s21  }
0x16: {  	_ =	swait.ge [sflag:s23], s21  }
0x17: {  	s2 =	ssub.s32 $0x0, s21;
	[sflag:s23] =	ssyncset.done $0x0  }
0x18: {  	[sflag:s23] =	ssyncadd.s32 s2;
	_ =	sdelay $0x1  }
0x19: {  	s24 =	simm.s32 $0x1B8B  }
0x1a: {  	_ =	swait.ge [sflag:s24], $0x1  }
0x1b: {  	[sflag:s24] =	ssyncset.done $0x0  }
0x1c: {  	s26 =	simm.s32 $0x1B8E;
	s25 =	sld [smem:$0x3FFE];
	[sflag:s24] =	ssyncadd.s32 $0xFFFFFFFF  }
0x1d: {  	s27 =	simm.s32 $execute0_lowered;
	[smem:$0x3FD2] =	sst s26  }
0x1e: {  	s4 =	sshll.u32 s27, $0x1;
	_ =	strace $0x80000049;
	[dreg:$0x1] =	wrdreg $0xFFFFFFFF  }
0x1f: {  	s28 =	simm.s32 $_size_execute0_lowered;
	s1 =	sadd.s32 s1, s4;
	[dreg:$0x0] =	wrdreg $0x0  }
0x20: {  	s4 =	sshll.u32 s28, $0x1;
	[dreg:$0x2] =	wrdreg s1  }
0x21: {  	[dreg:$0x3] =	wrdreg s4  }
0x22: {  	[dreg:$0x4] =	wrdreg $0xC0  }
0x23: {  	_ =	task [dreg:s6], $0x5FFFF  }
0x24: {  	[dreg:$0x1] =	wrdreg $0xFFFFFFFF  }
0x25: {  	[dreg:$0x0] =	wrdreg $0x60  }
0x26: {  	[dreg:$0x2] =	wrdreg s25  }
0x27: {  	[dreg:$0x3] =	wrdreg $0xA  }
0x28: {  	_ =	task.clear_ibuf [dreg:s6], $0x4FFFF;
	_ =	strace $0x90000049  }
0x29: {  	s29 =	simm.s32 $0xA;
	_ =	strace $0x8000004B  }
0x2a: {  	_ =	swait.ge [sflag:s29], $0x1  }
0x2b: {  	[sflag:s29] =	ssyncadd.s32 $0xFFFFFFFF  }
0x2c: {  	_ =	strace $0x9000004B  }
0x2d: {  	_ =	sfence  }
0x2e: {  	s30 =	sld [smem:$0x0];
	_ =	sdelay $0x2  }
0x2f: {  	s31 =	sshll.u32 s3, $0xD;
	s3 =	sshrl.u32 s3, $0x2  }
0x30: {  	s2 =	sand.u32 $0x4000, s31;
	s1 =	sadd.s32 s3, s30  }
0x31: {  	s0 =	sor.u32 s2, s0;
	s1 =	sshll.u32 s1, $0x11  }
0x32: {  	s0 =	sor.u32 s1, s0  }
0x33: {  	s0 =	sadd.s32 $0x8F2B, s0  }
0x34: {  	[sflag:s0] =	ssyncadd.remote.s32 $0x1  }
0x35: {  	_ =	sfence.sel $0xFFFF  }
0x36: {  	[dreg:$0x0] =	wrdreg $0xFFFFFFFF;
	(pc) =	sbr.abs _section_cstart, $3  }
0x37: {  	[dreg:$0x1] =	wrdreg $0xFFFFFFFF  }
0x38: {  	_ =	task.clear_ibuf [dreg:s6], $0x2FFFF;
	_ =	strace $0x9FFFFFFF  }
0x39: {  	(tm) =	ssettm $0x7FFFFFFF  }
tec
execute0_lowered:
.L_overlay_start_1:
0x0: {  	(tag) =	ssettag $0x1  }
0x1: {  	s1 =	rddreg [dreg:$0x0]  }
0x2: {  	s0 =	rddreg [dreg:$0x1]  }
0x3: {  	_ =	strace $0x8000004A;
	s4 =	srdreg.scid;
	s6 =	simm.s32 $0x2  }
.Ltmp0:
0x4: {  	p0 =	por $0x0, $0x0;
	s9 =	simm.s32 $0x0;
	(pc) =	sbr.rel .LBB1_1-.Ltmp0, $4  }
0x5: {  	s2 =	sadd.s32 $0xE00, s1;
	s3 =	sadd.s32 $0x100E00, s1;
	s5 =	sshll.u32 s4, $0x4  }
0x6: {  	s1 =	stileid.u32;
	s4 =	simm.s32 $0x1;
	s5 =	sand.u32 $0x10, s5  }
0x7: {  	s7 =	simm.s32 $0x0;
	[sflag:s4] =	ssyncpa.u1 $0x0;
	s5 =	sor.u32 s1, s5  }
0x8: {  	[sflag:s6] =	ssyncpa.u1 $0x0;
	s6 =	simm.s32 $0x0;
	s8 =	smov.u32 s5  }
.LBB1_7:
0x9: {  	s11 =	sadd.s32 $0x20, s8  }
0xa: {  	p1 =	slt.u32 s7, $0x2;
	s7 =	sadd.s32 $0x1, s7;
	p2 =	sgt.s32 s11, $0x1FF  }
0xb: {  	s11 =	smov.u32 @p2 s5;
	p2 =	sne.s32 s7, $0x12  }
.Ltmp1:
0xc: {  	_ = 	snop;
	(pc) =	sbr.rel @!p2 .LBB1_8-.Ltmp1, $4  }
0xd: {  	s10 =	simm.s32 @!p1 $0x2  }
0xe: {  	_ =	swait.ge @!p1 [sflag:s10], $0x4000  }
0xf: {  	s9 =	smov.u32 s8;
	[sflag:s10] =	ssyncset.done @!p1 $0x0  }
0x10: {  	p0 =	por !p0, !p0;
	s8 =	smov.u32 s11;
	[sflag:s10] =	ssyncadd.s32 @!p1 $0xFFFFC000  }
.LBB1_1:
0x11: {  	p1 =	sgt.u32 s7, $0xF  }
0x12: {  	s10 =	sxor.u32 @!p1 $0xFFFFFFFF, s7  }
0x13: {  	s11 =	sshll.u32 @!p1 s8, $0xB;
	s10 =	sshll.u32 @!p1 s10, $0xE  }
0x14: {  	s12 =	simm.s32 @!p1 $0x0;
	s11 =	sadd.s32 @!p1 s2, s11;
	s10 =	sand.u32 @!p1 $0x4000, s10  }
0x15: {  	[tilespmem:s10], [sflag:$0x1] =	stream.linear.gather @!p1 [hbm4b:s11+s12], $0x4000, $0x38;
	[tilespmem:$0x10000] =	vst v63  }
0x16: {  	p1 =	seq.s32 s7, $0x0  }
0x17: {  	p2 =	seq.s32 @!p1 s7, $0x11  }
0x18: {  	p1 =	por p1, p2  }
.Ltmp2:
0x19: {  	_ = 	snop;
	(pc) =	sbr.rel @p1 .LBB1_7-.Ltmp2, $1  }
0x1a: {  	_ =	sdelay $0x3  }
0x1b: {  	s10 =	simm.s32 $0x1;
	_ =	swait.ge [sflag:s4], $0x4000;
	s12 =	sshll.u32 s7, $0xE  }
0x1c: {  	s13 =	simm.s32 $0x0;
	s10 =	simm.s32 @!p0 $0x0;
	[sflag:s4] =	ssyncset.done $0x0  }
0x1d: {  	s12 =	sand.u32 $0x4000, s12;
	s11 =	sshll.u32 s10, $0xE;
	[sflag:s4] =	ssyncadd.s32 $0xFFFFC000  }
0x1e: {  	s12 =	sor.u32 $0x8000, s12;
	s10 =	sor.u32 $0x8040, s11;
	s11 =	sor.u32 $0x40, s11  }
.LBB1_3:
0x1f: {  	v0 =	vmov s11;
	_ =	sdelay $0x3  }
0x20: {  	s15 =	simm.s32 $0x0  }
0x21: {  	v6 =	vld.idx.msk [tilespmem:v0+s15+$0x30 ss:$0x1], $0xffff  }
0x22: {  	v7 =	vld.idx.msk [tilespmem:v0+s15+$0xFFFFFFC0 ss:$0x1], $0xffff  }
0x23: {  	v5 =	vld.idx.msk [tilespmem:v0+s15+$0xFFFFFFD0 ss:$0x1], $0xffff  }
0x24: {  	v4 =	vld.idx.msk [tilespmem:v0+s15+$0xFFFFFFE0 ss:$0x1], $0xffff  }
0x25: {  	v3 =	vld.idx.msk [tilespmem:v0+s15+$0xFFFFFFF0 ss:$0x1], $0xffff  }
0x26: {  	v1 =	vld.idx.msk [tilespmem:v0+s15+$0x0 ss:$0x1], $0xffff  }
0x27: {  	v2 =	vld.idx.msk [tilespmem:v0+s15+$0x10 ss:$0x1], $0xffff;
	[tilespmem:s10+$0x30] =	vst v6  }
0x28: {  	s14 =	simm.s32 $0x80;
	s16 =	simm.s32 $0x400;
	[tilespmem:s10+$0xFFFFFFC0] =	vst v7;
	v6 =	vld.idx.msk [tilespmem:v0+s15+$0x20 ss:$0x1], $0xffff;
	s15 =	smov.u32 s10  }
.LBB1_4:
0x29: {  	p1 =	sne.s32 s16, $0xE00;
	v7 =	vld.idx.msk [tilespmem:v0+s14+$0x30 ss:$0x1], $0xffff;
	[tilespmem:s15+$0xFFFFFFD0] =	vst v5  }
0x2a: {  	v8 =	vld.idx.msk [tilespmem:v0+s14+$0xFFFFFFC0 ss:$0x1], $0xffff;
	[tilespmem:s15+$0xFFFFFFE0] =	vst v4  }
0x2b: {  	v5 =	vld.idx.msk [tilespmem:v0+s14+$0xFFFFFFD0 ss:$0x1], $0xffff;
	[tilespmem:s15+$0xFFFFFFF0] =	vst v3  }
.Ltmp3:
0x2c: {  	v4 =	vld.idx.msk [tilespmem:v0+s14+$0xFFFFFFE0 ss:$0x1], $0xffff;
	[tilespmem:s15+$0x0] =	vst v1;
	(pc) =	sbr.rel @p1 .LBB1_4-.Ltmp3, $4  }
0x2d: {  	v3 =	vld.idx.msk [tilespmem:v0+s14+$0xFFFFFFF0 ss:$0x1], $0xffff;
	[tilespmem:s15+$0x10] =	vst v2  }
0x2e: {  	v1 =	vld.idx.msk [tilespmem:v0+s14+$0x0 ss:$0x1], $0xffff;
	[tilespmem:s15+$0x20] =	vst v6;
	s15 =	sadd.s32 $0x800, s15  }
0x2f: {  	v2 =	vld.idx.msk [tilespmem:v0+s14+$0x10 ss:$0x1], $0xffff;
	[tilespmem:s15+$0x30] =	vst v7  }
0x30: {  	[tilespmem:s15+$0xFFFFFFC0] =	vst v8;
	v6 =	vld.idx.msk [tilespmem:v0+s14+$0x20 ss:$0x1], $0xffff;
	s14 =	sshra.s32 s16, $0x2;
	s16 =	sadd.s32 $0x200, s16  }
0x31: {  	_ =	sdelay $0x2  }
0x32: {  	[tilespmem:s15+$0xFFFFFFD0] =	vst v5  }
0x33: {  	v56 =	vld.idx.msk [tilespmem:v0+s14+$0x30 ss:$0x1], $0xffff;
	[tilespmem:s15+$0xFFFFFFE0] =	vst v4  }
0x34: {  	v57 =	vld.idx.msk [tilespmem:v0+s14+$0xFFFFFFC0 ss:$0x1], $0xffff;
	[tilespmem:s15+$0xFFFFFFF0] =	vst v3  }
0x35: {  	v58 =	vld.idx.msk [tilespmem:v0+s14+$0xFFFFFFD0 ss:$0x1], $0xffff;
	[tilespmem:s15+$0x0] =	vst v1  }
0x36: {  	v59 =	vld.idx.msk [tilespmem:v0+s14+$0xFFFFFFE0 ss:$0x1], $0xffff;
	[tilespmem:s15+$0x10] =	vst v2  }
0x37: {  	v60 =	vld.idx.msk [tilespmem:v0+s14+$0xFFFFFFF0 ss:$0x1], $0xffff;
	s31 =	sadd.s32 $0x800, s15;
	[tilespmem:s15+$0x20] =	vst v6  }
0x38: {  	v61 =	vld.idx.msk [tilespmem:v0+s14+$0x0 ss:$0x1], $0xffff;
	[tilespmem:s31+$0x30] =	vst v56  }
0x39: {  	v62 =	vld.idx.msk [tilespmem:v0+s14+$0x10 ss:$0x1], $0xffff;
	s13 =	sadd.s32 $0x1, s13;
	[tilespmem:s31+$0xFFFFFFC0] =	vst v57  }
0x3a: {  	v63 =	vld.idx.msk [tilespmem:v0+s14+$0x20 ss:$0x1], $0xffff;
	p1 =	sne.s32 s13, $0x10;
	[tilespmem:s31+$0xFFFFFFD0] =	vst v58  }
.Ltmp4:
0x3b: {  	[tilespmem:s31+$0xFFFFFFE0] =	vst v59;
	(pc) =	sbr.rel @p1 .LBB1_3-.Ltmp4, $4  }
0x3c: {  	[tilespmem:s31+$0xFFFFFFF0] =	vst v60  }
0x3d: {  	[tilespmem:s31+$0x0] =	vst v61  }
0x3e: {  	[tilespmem:s31+$0x10] =	vst v62  }
0x3f: {  	s10 =	sadd.s32 $0x80, s10;
	s11 =	sadd.s32 $0x400, s11;
	[tilespmem:s31+$0x20] =	vst v63  }
.Ltmp5:
0x40: {  	(pc) =	sbr.rel .LBB1_7-.Ltmp5, $4  }
0x41: {  	_ = 	snop  }
0x42: {  	s9 =	sshll.u32 s9, $0xB  }
0x43: {  	s9 =	sadd.s32 s3, s9  }
0x44: {  	[hbm4b:s9+s6] =	stream.linear.scatter [tilespmem:s12], [sflag:$0x2], $0x4000, $0x38;
	[tilespmem:$0x10000] =	vst v63  }
.LBB1_8:
0x45: {  	_ =	sfence.sel $0x180000  }
0x46: {  	s2 =	simm.s32 $0x1;
	[bflag:$0x0] =	sbarrier.arrive $0xFFFF  }
0x47: {  	s31 =	simm.s32 $0x2;
	[sflag:s2] =	ssyncpa.u1 $0x1  }
0x48: {  	[sflag:s31] =	ssyncpa.u1 $0x1  }
0x49: {  	p0 =	sne.s32 s1, $0x0;
	_ =	strace $0x9000004A  }
0x4a: {  	s0 =	sadd.s32 @!p0 $0x100000, s0;
	[bflag:$0x2] =	sbarrier.arrive $0xFFFF  }
0x4b: {  	[sflag:s0] =	ssyncadd.tile.s32 @!p0 $0x1;
	_ =	shalt  }
.Lfunc_end1:
_tile_overlayer_lowered:
.L_overlay_start_2:
0x4c: {  	(tag) =	ssettag $0x2  }
0x4d: {  	s0 =	rddreg [dreg:$0x0];
	s2 =	stileid.u32  }
0x4e: {  	s1 =	rddreg [dreg:$0x1];
	p0 =	sne.s32 s2, $0x0  }
0x4f: {  	s3 =	rddreg [dreg:$0x2];
	[bflag:$0x3] =	sbarrier.arrive $0xFFFF;
	s2 =	simm.s32 @!p0 $0x1C01  }
0x50: {  	[timem:s3], [sflag:s2] =	dma.local @!p0 [hbm:s0], s1  }
0x51: {  	s0 =	simm.s32 @!p0 $0x1  }
0x52: {  	_ =	swait.ge @!p0 [sflag:s0], s1  }
0x53: {  	s1 =	ssub.s32 @!p0 $0x0, s1;
	[sflag:s0] =	ssyncset.done @!p0 $0x0  }
0x54: {  	[sflag:s0] =	ssyncadd.s32 @!p0 s1  }
0x55: {  	[bflag:$0x3] =	sbarrier.arrive $0xFFFF  }
0x56: {  	_ =	shalt  }

// kernel: sparse-core-data-format-call.2.cloned.1.call-start
scs
called_computation.2_lowered:
.L_overlay_start_0:
0x0: {  	s2 =	sld [smem:$0x3FD9]  }
0x1: {  	s3 =	sld [smem:$0x3FFE];
	_ =	sdelay $0x1  }
0x2: {  	s1 =	srdreg.scid  }
0x3: {  	s0 =	sand.u32 $0x1, s1  }
0x4: {  	s18 =	sshll.u32 s0, $0xA;
	s2 =	sadd.s32 s3, s2  }
0x5: {  	s2 =	sadd.s32 s2, s18  }
0x6: {  	[smem:$0x3FC5] =	sst s2  }
0x7: {  	_ = 	snop  }
0x8: {  	s2 =	sld [smem:$0x3FD0];
	(tm) =	ssettm $0x1  }
0x9: {  	s19 =	sld [smem:$0x3FFB];
	_ =	sdelay $0x3  }
0xa: {  	_ =	strace s19  }
0xb: {  	s3 =	sld [smem:$0x3FFC];
	_ =	sdelay $0x3  }
0xc: {  	_ =	strace s3  }
0xd: {  	s3 =	sld [smem:$0x3FFD];
	_ =	sdelay $0x3  }
0xe: {  	_ =	strace s3  }
0xf: {  	_ =	strace $0x8FFFFFFF  }
0x10: {  	s20 =	sld [smem:$0x3FDB];
	_ =	sdelay $0x1  }
0x11: {  	s4 =	simm.s32 $_scs_section_size  }
0x12: {  	s5 =	simm.s32 $_size__tile_overlayer_lowered;
	s6 =	simm.s32 $_tile_overlayer_lowered  }
0x13: {  	s23 =	simm.s32 $0x1BFF;
	s22 =	sshll.u32 s6, $0x1;
	s3 =	sadd.s32 s4, s20  }
0x14: {  	s7 =	simm.s32 $0x0;
	s21 =	sshll.u32 s5, $0x1;
	s5 =	sadd.s32 s22, s3  }
0x15: {  	[timem:s7], [sflag:s23] =	dma.local [hbm:s5], s21  }
0x16: {  	_ =	swait.ge [sflag:s23], s21  }
0x17: {  	s4 =	ssub.s32 $0x0, s21;
	[sflag:s23] =	ssyncset.done $0x0  }
0x18: {  	[sflag:s23] =	ssyncadd.s32 s4;
	_ =	sdelay $0x1  }
0x19: {  	s24 =	simm.s32 $0x1B8B  }
0x1a: {  	_ =	swait.ge [sflag:s24], $0x1  }
0x1b: {  	[sflag:s24] =	ssyncset.done $0x0  }
0x1c: {  	s26 =	simm.s32 $0x1B8E;
	s25 =	sld [smem:$0x3FFE];
	[sflag:s24] =	ssyncadd.s32 $0xFFFFFFFF  }
0x1d: {  	s27 =	simm.s32 $execute0_lowered;
	[smem:$0x3FD2] =	sst s26  }
0x1e: {  	s5 =	sshll.u32 s27, $0x1;
	_ =	strace $0x80000046;
	[dreg:$0x1] =	wrdreg $0xFFFFFFFF  }
0x1f: {  	s28 =	simm.s32 $_size_execute0_lowered;
	s3 =	sadd.s32 s3, s5;
	[dreg:$0x0] =	wrdreg $0x0  }
0x20: {  	s5 =	sshll.u32 s28, $0x1;
	[dreg:$0x2] =	wrdreg s3  }
0x21: {  	[dreg:$0x3] =	wrdreg s5  }
0x22: {  	[dreg:$0x4] =	wrdreg $0xC0  }
0x23: {  	_ =	task [dreg:s7], $0x5FFFF  }
0x24: {  	[dreg:$0x1] =	wrdreg $0xFFFFFFFF  }
0x25: {  	[dreg:$0x0] =	wrdreg $0x60  }
0x26: {  	[dreg:$0x2] =	wrdreg s2  }
0x27: {  	[dreg:$0x3] =	wrdreg s25  }
0x28: {  	[dreg:$0x4] =	wrdreg $0x9  }
0x29: {  	_ =	task.clear_ibuf [dreg:s7], $0x5FFFF;
	_ =	strace $0x90000046  }
0x2a: {  	s29 =	simm.s32 $0x9;
	_ =	strace $0x80000048  }
0x2b: {  	_ =	swait.ge [sflag:s29], $0x1  }
0x2c: {  	[sflag:s29] =	ssyncadd.s32 $0xFFFFFFFF  }
0x2d: {  	_ =	strace $0x90000048  }
0x2e: {  	_ =	sfence  }
0x2f: {  	s30 =	sld [smem:$0x0];
	_ =	sdelay $0x2  }
0x30: {  	s31 =	sshll.u32 s1, $0xD;
	s1 =	sshrl.u32 s1, $0x2  }
0x31: {  	s3 =	sand.u32 $0x4000, s31;
	s1 =	sadd.s32 s1, s30  }
0x32: {  	s0 =	sor.u32 s3, s0;
	s1 =	sshll.u32 s1, $0x11  }
0x33: {  	s0 =	sor.u32 s1, s0  }
0x34: {  	s0 =	sadd.s32 $0x8F2B, s0  }
0x35: {  	[sflag:s0] =	ssyncadd.remote.s32 $0x1  }
0x36: {  	_ =	sfence.sel $0xFFFF  }
0x37: {  	[dreg:$0x0] =	wrdreg $0xFFFFFFFF;
	(pc) =	sbr.abs _section_cstart, $3  }
0x38: {  	[dreg:$0x1] =	wrdreg $0xFFFFFFFF  }
0x39: {  	_ =	task.clear_ibuf [dreg:s7], $0x2FFFF;
	_ =	strace $0x9FFFFFFF  }
0x3a: {  	(tm) =	ssettm $0x7FFFFFFF  }
0x3b: {  	_ =	shalt  }
tec
execute0_lowered:
.L_overlay_start_1:
0x0: {  	(tag) =	ssettag $0x1  }
0x1: {  	s2 =	rddreg [dreg:$0x0]  }
0x2: {  	s7 =	rddreg [dreg:$0x1];
	s1 =	stileid.u32  }
0x3: {  	s4 =	srdreg.scid;
	s0 =	rddreg [dreg:$0x2];
	_ =	strace $0x80000047  }
0x4: {  	s9 =	simm.s32 $0x1;
	s31 =	simm.s32 $0x2;
	s14 =	simm.s32 $0x0  }
0x5: {  	s13 =	simm.s32 $0x0;
	s3 =	sshll.u32 s1, $0x7;
	s4 =	sshll.u32 s4, $0x7  }
0x6: {  	s12 =	simm.s32 $0x0;
	s4 =	sand.u32 $0x80, s4;
	s5 =	ssub.s32 $0x800, s3  }
0x7: {  	s6 =	sshrl.u32 s5, $0xB;
	s5 =	sand.u32 $0x780, s5;
	s8 =	ssub.s32 $0x1000, s4  }
0x8: {  	p0 =	sne.s32 s5, $0x0;
	s30 =	sshrl.u32 s8, $0x7;
	s8 =	sshrl.u32 s8, $0x8  }
.Ltmp0:
0x9: {  	s9 =	simm.s32 @!p0 $0x0;
	s10 =	sand.u32 $0x1, s30;
	(pc) =	sbr.rel .LBB1_1-.Ltmp0, $4  }
0xa: {  	s5 =	simm.s32 $0x1;
	s6 =	sadd.s32 s9, s6;
	s8 =	sadd.s32 s8, s10  }
0xb: {  	s7 =	sadd.s32 $0xE00, s7;
	[sflag:s5] =	ssyncpa.u1 $0x0;
	s6 =	smul.u32 s6, s8  }
0xc: {  	s11 =	smov.u32 s3;
	p0 =	por $0x0, $0x0;
	[sflag:s31] =	ssyncpa.u1 $0x0  }
0xd: {  	s9 =	simm.s32 $0x4000;
	s10 =	smov.u32 s4;
	s8 =	sadd.s32 $0x1, s6  }
.LBB1_4:
0xe: {  	v5 =	vld [tilespmem:s17+$0xFFFFFFD0]  }
0xf: {  	[tilespmem:s18+$0x2040 ss:$0x81] =	vst.msk $0xffff, v1;
	v58 =	vld [tilespmem:s17+$0xFFFFFFE0]  }
0x10: {  	[tilespmem:s18+$0x2850 ss:$0x81] =	vst.msk $0xffff, v2;
	v59 =	vld [tilespmem:s17+$0xFFFFFFF0]  }
0x11: {  	s19 =	sshra.s32 s19, $0x2;
	[tilespmem:s18+$0x3060 ss:$0x81] =	vst.msk $0xffff, v3;
	v60 =	vld [tilespmem:s17+$0x0]  }
0x12: {  	[tilespmem:s18+$0x0 ss:$0x81] =	vst.msk $0xffff, v0;
	v61 =	vld [tilespmem:s17+$0x10];
	s16 =	sadd.s32 s19, s16  }
0x13: {  	s26 =	sshll.u32 s14, $0xB;
	v62 =	vld [tilespmem:s17+$0x20];
	[tilespmem:s16+$0x3870 ss:$0x81] =	vst.msk $0xffff, v4  }
0x14: {  	s27 =	sand.u32 $0x78, s13;
	s20 =	sshll.u32 s13, $0x3;
	v63 =	vld [tilespmem:s17+$0xFFFFFFC0];
	s29 =	sshll.u32 s14, $0x7;
	[tilespmem:s16+$0x810 ss:$0x81] =	vst.msk $0xffff, v5  }
0x15: {  	s18 =	sand.u32 $0x7FC000, s26;
	s28 =	sand.u32 $0x7FFC00, s20;
	s20 =	sand.u32 $0x400, s20;
	[tilespmem:s16+$0x1020 ss:$0x81] =	vst.msk $0xffff, v58  }
0x16: {  	s14 =	sand.u32 $0x380, s29;
	s17 =	sadd.s32 s28, s18;
	s30 =	sor.u32 s27, s20;
	[tilespmem:s16+$0x1830 ss:$0x81] =	vst.msk $0xffff, v59  }
0x17: {  	s17 =	sand.u32 $0x7FF800, s17;
	s14 =	sor.u32 s14, s30;
	[tilespmem:s16+$0x2040 ss:$0x81] =	vst.msk $0xffff, v60  }
0x18: {  	s31 =	sand.u32 $0x7, s13;
	s14 =	sor.u32 s17, s14;
	[tilespmem:s16+$0x2850 ss:$0x81] =	vst.msk $0xffff, v61  }
0x19: {  	s13 =	sshll.u32 s31, $0x12;
	[tilespmem:s16+$0x3060 ss:$0x81] =	vst.msk $0xffff, v62;
	s14 =	sshrl.u32 s14, $0x3  }
0x1a: {  	s13 =	sor.u32 $0x400, s13;
	[tilespmem:s16+$0x0 ss:$0x81] =	vst.msk $0xffff, v63;
	s14 =	sadd.s32 s7, s14  }
0x1b: {  	[hbm4b:s14+s13] =	stream.strided.scatter [tilespmem:s15], [sflag:$0x2], $0x4000, s9, s13, $0x20;
	[tilespmem:$0x10100] =	vst v63  }
.LBB1_5:
0x1c: {  	s15 =	sadd.s32 $0x100, s10  }
0x1d: {  	s13 =	sadd.s32 $0x800, s11;
	s17 =	smov.u32 s11;
	p2 =	sgt.s32 s15, $0xFFF  }
0x1e: {  	s17 =	smov.u32 @p2 s13  }
0x1f: {  	s15 =	smov.u32 @p2 s4;
	p2 =	sgt.s32 s17, $0x7FF  }
0x20: {  	s17 =	smov.u32 @p2 s3;
	p2 =	sne.s32 s12, s8  }
.Ltmp1:
0x21: {  	p1 =	slt.u32 s12, $0x2;
	(pc) =	sbr.rel @!p2 .LBB1_6-.Ltmp1, $4  }
0x22: {  	s16 =	simm.s32 @!p1 $0x2  }
0x23: {  	s14 =	smov.u32 s10;
	p0 =	por !p0, !p0;
	_ =	swait.ge @!p1 [sflag:s16], $0x4000  }
0x24: {  	s13 =	smov.u32 s11;
	[sflag:s16] =	ssyncset.done @!p1 $0x0;
	s10 =	smov.u32 s15  }
0x25: {  	s12 =	sadd.s32 $0x1, s12;
	[sflag:s16] =	ssyncadd.s32 @!p1 $0xFFFFC000;
	s11 =	smov.u32 s17  }
.LBB1_1:
0x26: {  	p1 =	sge.u32 s12, s6;
	s31 =	sadd.s32 $0xFFFFFFFF, s12  }
0x27: {  	s15 =	sand.u32 @!p1 $0x78, s10;
	s16 =	sshll.u32 @!p1 s11, $0xC;
	s17 =	sshll.u32 @!p1 s11, $0x7  }
0x28: {  	s18 =	sshll.u32 @!p1 s10, $0x3;
	s16 =	sand.u32 @!p1 $0x7F8000, s16;
	s17 =	sand.u32 @!p1 $0x380, s17  }
0x29: {  	s16 =	sadd.s32 @!p1 s16, s18;
	s18 =	sand.u32 @!p1 $0xC00, s18;
	s15 =	sor.u32 @!p1 s17, s15  }
0x2a: {  	s17 =	sxor.u32 @!p1 $0xFFFFFFFF, s12;
	s16 =	sand.u32 @!p1 $0x7FF000, s16;
	s15 =	sor.u32 @!p1 s18, s15  }
0x2b: {  	s17 =	sshll.u32 @!p1 s17, $0xE;
	s15 =	sor.u32 @!p1 s16, s15;
	s16 =	sand.u32 @!p1 $0x7, s10  }
0x2c: {  	s18 =	simm.s32 @!p1 $0x8000;
	s15 =	sshrl.u32 @!p1 s15, $0x3;
	s16 =	sshll.u32 @!p1 s16, $0x12  }
0x2d: {  	s17 =	sand.u32 @!p1 $0x4000, s17;
	s15 =	sadd.s32 @!p1 s2, s15;
	s16 =	sor.u32 @!p1 $0x400, s16  }
0x2e: {  	[tilespmem:s17], [sflag:$0x1] =	stream.strided.gather @!p1 [hbm4b:s15+s16], $0x4000, s18, s16, $0x38;
	[tilespmem:$0x10100] =	vst v63  }
0x2f: {  	p1 =	sge.u32 s31, s6  }
.Ltmp2:
0x30: {  	_ = 	snop;
	(pc) =	sbr.rel @p1 .LBB1_5-.Ltmp2, $1  }
0x31: {  	_ =	sdelay $0x3  }
0x32: {  	s15 =	simm.s32 $0x1  }
0x33: {  	_ =	swait.ge [sflag:s5], $0x4000;
	s15 =	simm.s32 @!p0 $0x0  }
0x34: {  	[sflag:s5] =	ssyncset.done $0x0;
	s16 =	sshll.u32 s15, $0xE  }
0x35: {  	[sflag:s5] =	ssyncadd.s32 $0xFFFFC000;
	s17 =	sor.u32 $0x40, s16  }
0x36: {  	s15 =	smul.u32 $0x10200, s15;
	v0 =	vld [tilespmem:s17+$0x30]  }
0x37: {  	v3 =	vld [tilespmem:s17+$0xFFFFFFD0]  }
0x38: {  	s15 =	sshrl.u32 s15, $0x2;
	v4 =	vld [tilespmem:s17+$0xFFFFFFE0]  }
0x39: {  	v5 =	vld [tilespmem:s17+$0xFFFFFFF0];
	s16 =	sor.u32 $0x8000, s15  }
0x3a: {  	s31 =	sand.u32 $0x1, s12;
	v1 =	vld [tilespmem:s17+$0x0];
	s18 =	sadd.s32 $0x0, s16  }
0x3b: {  	v2 =	vld [tilespmem:s17+$0x10];
	s15 =	smul.u32 $0x10200, s31;
	[tilespmem:s18+$0x3870 ss:$0x81] =	vst.msk $0xffff, v0  }
0x3c: {  	[tilespmem:s18+$0x810 ss:$0x81] =	vst.msk $0xffff, v3;
	v3 =	vld [tilespmem:s17+$0x20]  }
0x3d: {  	s15 =	sshrl.u32 s15, $0x2;
	v0 =	vld [tilespmem:s17+$0xFFFFFFC0];
	[tilespmem:s18+$0x1020 ss:$0x81] =	vst.msk $0xffff, v4;
	s17 =	sadd.s32 $0x80, s17  }
0x3e: {  	s19 =	simm.s32 $0x4;
	s20 =	simm.s32 $0x8;
	s15 =	sor.u32 $0x8000, s15;
	[tilespmem:s18+$0x1830 ss:$0x81] =	vst.msk $0xffff, v5;
	v4 =	vld [tilespmem:s17+$0x30]  }
.LBB1_3:
0x3f: {  	p1 =	sne.s32 s20, $0x1FC;
	v5 =	vld [tilespmem:s17+$0xFFFFFFD0];
	[tilespmem:s18+$0x2040 ss:$0x81] =	vst.msk $0xffff, v1  }
0x40: {  	v6 =	vld [tilespmem:s17+$0xFFFFFFE0];
	[tilespmem:s18+$0x2850 ss:$0x81] =	vst.msk $0xffff, v2  }
0x41: {  	s21 =	sshra.s32 s19, $0x2;
	s19 =	smov.u32 s20;
	v7 =	vld [tilespmem:s17+$0xFFFFFFF0];
	[tilespmem:s18+$0x3060 ss:$0x81] =	vst.msk $0xffff, v3  }
.Ltmp3:
0x42: {  	v1 =	vld [tilespmem:s17+$0x0];
	[tilespmem:s18+$0x0 ss:$0x81] =	vst.msk $0xffff, v0;
	s18 =	sadd.s32 s21, s16;
	(pc) =	sbr.rel @p1 .LBB1_3-.Ltmp3, $4  }
0x43: {  	v2 =	vld [tilespmem:s17+$0x10];
	[tilespmem:s18+$0x3870 ss:$0x81] =	vst.msk $0xffff, v4  }
0x44: {  	[tilespmem:s18+$0x810 ss:$0x81] =	vst.msk $0xffff, v5;
	v3 =	vld [tilespmem:s17+$0x20]  }
0x45: {  	v0 =	vld [tilespmem:s17+$0xFFFFFFC0];
	[tilespmem:s18+$0x1020 ss:$0x81] =	vst.msk $0xffff, v6;
	s17 =	sadd.s32 $0x80, s17  }
0x46: {  	s20 =	sadd.s32 $0x4, s20;
	v4 =	vld [tilespmem:s17+$0x30];
	[tilespmem:s18+$0x1830 ss:$0x81] =	vst.msk $0xffff, v7  }
.Ltmp4:
0x47: {  	_ = 	snop;
	(pc) =	sbr.rel .LBB1_4-.Ltmp4, $1  }
0x48: {  	_ =	sdelay $0x3  }
.LBB1_6:
0x49: {  	_ =	sfence.sel $0x180000  }
0x4a: {  	s2 =	simm.s32 $0x1;
	[bflag:$0x0] =	sbarrier.arrive $0xFFFF  }
0x4b: {  	s31 =	simm.s32 $0x2;
	[sflag:s2] =	ssyncpa.u1 $0x1  }
0x4c: {  	[sflag:s31] =	ssyncpa.u1 $0x1  }
0x4d: {  	p0 =	sne.s32 s1, $0x0;
	_ =	strace $0x90000047  }
0x4e: {  	s0 =	sadd.s32 @!p0 $0x100000, s0;
	[bflag:$0x2] =	sbarrier.arrive $0xFFFF  }
0x4f: {  	[sflag:s0] =	ssyncadd.tile.s32 @!p0 $0x1;
	_ =	shalt  }
.Lfunc_end1:
_tile_overlayer_lowered:
.L_overlay_start_2:
0x50: {  	(tag) =	ssettag $0x2  }
0x51: {  	s0 =	rddreg [dreg:$0x0];
	s2 =	stileid.u32  }
0x52: {  	s1 =	rddreg [dreg:$0x1];
	p0 =	sne.s32 s2, $0x0  }
0x53: {  	s3 =	rddreg [dreg:$0x2];
	[bflag:$0x3] =	sbarrier.arrive $0xFFFF;
	s2 =	simm.s32 @!p0 $0x1C01  }
0x54: {  	[timem:s3], [sflag:s2] =	dma.local @!p0 [hbm:s0], s1  }
0x55: {  	s0 =	simm.s32 @!p0 $0x1  }
0x56: {  	_ =	swait.ge @!p0 [sflag:s0], s1  }
0x57: {  	s1 =	ssub.s32 @!p0 $0x0, s1;
	[sflag:s0] =	ssyncset.done @!p0 $0x0  }
0x58: {  	[sflag:s0] =	ssyncadd.s32 @!p0 s1  }
0x59: {  	[bflag:$0x3] =	sbarrier.arrive $0xFFFF  }
0x5a: {  	_ =	shalt  }

// kernel: sparse-core-data-format-call.3.cloned.1.call-start
scs
called_computation.3_lowered:
.L_overlay_start_0:
0x0: {  	s2 =	sld [smem:$0x3FD9]  }
0x1: {  	s3 =	sld [smem:$0x3FFE];
	_ =	sdelay $0x1  }
0x2: {  	s1 =	srdreg.scid  }
0x3: {  	s0 =	sand.u32 $0x1, s1  }
0x4: {  	s19 =	sshll.u32 s0, $0xA;
	s2 =	sadd.s32 s3, s2  }
0x5: {  	s2 =	sadd.s32 s2, s19  }
0x6: {  	[smem:$0x3FC5] =	sst s2  }
0x7: {  	_ = 	snop  }
0x8: {  	s20 =	sld [smem:$0x3FC9]  }
0x9: {  	s4 =	sld [smem:$0x3FD0];
	(tm) =	ssettm $0x1  }
0xa: {  	s21 =	sld [smem:$0x3FFB];
	_ =	sdelay $0x3  }
0xb: {  	_ =	strace s21  }
0xc: {  	s2 =	sld [smem:$0x3FFC];
	_ =	sdelay $0x3  }
0xd: {  	_ =	strace s2  }
0xe: {  	s2 =	sld [smem:$0x3FFD];
	_ =	sdelay $0x3  }
0xf: {  	_ =	strace s2  }
0x10: {  	_ =	strace $0x8FFFFFFF  }
0x11: {  	s22 =	sld [smem:$0x3FDB];
	_ =	sdelay $0x1  }
0x12: {  	s5 =	simm.s32 $_scs_section_size  }
0x13: {  	s6 =	simm.s32 $_size__tile_overlayer_lowered;
	s7 =	simm.s32 $_tile_overlayer_lowered  }
0x14: {  	s8 =	simm.s32 $0x1BFF;
	s23 =	sshll.u32 s7, $0x1;
	s5 =	sadd.s32 s5, s22  }
0x15: {  	s24 =	simm.s32 $0x0;
	s6 =	sshll.u32 s6, $0x1;
	s7 =	sadd.s32 s23, s5  }
0x16: {  	[timem:s24], [sflag:s8] =	dma.local [hbm:s7], s6  }
0x17: {  	_ =	swait.ge [sflag:s8], s6  }
0x18: {  	s6 =	ssub.s32 $0x0, s6;
	[sflag:s8] =	ssyncset.done $0x0  }
0x19: {  	[sflag:s8] =	ssyncadd.s32 s6;
	_ =	sdelay $0x1  }
0x1a: {  	s25 =	simm.s32 $0x1B8B  }
0x1b: {  	_ =	swait.ge [sflag:s25], $0x1  }
0x1c: {  	[sflag:s25] =	ssyncset.done $0x0  }
0x1d: {  	[sflag:s25] =	ssyncadd.s32 $0xFFFFFFFF  }
0x1e: {  	s6 =	sld [smem:$0x0]  }
0x1f: {  	s7 =	sand.u32 $0xFFFFFFFE, s1  }
0x20: {  	p0 =	sne.s32 s1, s7  }
0x21: {  	s7 =	sshll.u32 @p0 s7, $0xE  }
0x22: {  	s7 =	sadd.s32 @p0 $0x11B8D, s7;
	s8 =	sshll.u32 @p0 s6, $0x11  }
0x23: {  	s7 =	sor.u32 @p0 s8, s7  }
0x24: {  	[sflag:s7] =	ssyncadd.remote.s32 @p0 $0x1;
	_ =	sdelay $0x1  }
0x25: {  	s7 =	simm.s32 @p0 $0x1B8D  }
0x26: {  	_ =	swait.eq @p0 [sflag:s7], $0x1  }
0x27: {  	[sflag:s7] =	ssyncadd.s32 @p0 $0xFFFFFFFF  }
0x28: {  	s8 =	sshll.u32 @!p0 s1, $0xE  }
0x29: {  	s8 =	sor.u32 @!p0 $0x4000, s8;
	s7 =	simm.s32 @!p0 $0x1B8D  }
0x2a: {  	s6 =	sshll.u32 @!p0 s6, $0x11;
	s8 =	sadd.s32 @!p0 $0x11B8D, s8;
	_ =	swait.eq @!p0 [sflag:s7], $0x1  }
0x2b: {  	s6 =	sor.u32 @!p0 s6, s8;
	[sflag:s7] =	ssyncadd.s32 @!p0 $0xFFFFFFFF  }
0x2c: {  	s26 =	simm.s32 $0x1B8E;
	[sflag:s6] =	ssyncadd.remote.s32 @!p0 $0x1  }
0x2d: {  	s27 =	simm.s32 $execute0_lowered;
	[smem:$0x3FD2] =	sst s26  }
0x2e: {  	s6 =	sshll.u32 s27, $0x1;
	_ =	strace $0x8000004F;
	[dreg:$0x1] =	wrdreg $0xFFFFFFFF  }
0x2f: {  	s28 =	simm.s32 $_size_execute0_lowered;
	s5 =	sadd.s32 s5, s6;
	[dreg:$0x0] =	wrdreg $0x0  }
0x30: {  	s6 =	sshll.u32 s28, $0x1;
	[dreg:$0x2] =	wrdreg s5  }
0x31: {  	[dreg:$0x3] =	wrdreg s6  }
0x32: {  	[dreg:$0x4] =	wrdreg $0xC0  }
0x33: {  	_ =	task [dreg:s24], $0x5FFFF  }
0x34: {  	[dreg:$0x1] =	wrdreg $0xFFFFFFFF  }
0x35: {  	[dreg:$0x0] =	wrdreg $0x60  }
0x36: {  	[dreg:$0x2] =	wrdreg s20  }
0x37: {  	[dreg:$0x3] =	wrdreg s4  }
0x38: {  	[dreg:$0x4] =	wrdreg $0xB  }
0x39: {  	_ =	task.clear_ibuf [dreg:s24], $0x5FFFF;
	_ =	strace $0x9000004F  }
0x3a: {  	s29 =	simm.s32 $0xB;
	_ =	strace $0x80000051  }
0x3b: {  	_ =	swait.ge [sflag:s29], $0x1  }
0x3c: {  	[sflag:s29] =	ssyncadd.s32 $0xFFFFFFFF  }
0x3d: {  	_ =	strace $0x90000051  }
0x3e: {  	_ =	sfence  }
0x3f: {  	s30 =	sld [smem:$0x0];
	_ =	sdelay $0x2  }
0x40: {  	s31 =	sshll.u32 s1, $0xD;
	s1 =	sshrl.u32 s1, $0x2  }
0x41: {  	s4 =	sand.u32 $0x4000, s31;
	s1 =	sadd.s32 s1, s30  }
0x42: {  	s0 =	sor.u32 s4, s0;
	s1 =	sshll.u32 s1, $0x11  }
0x43: {  	s0 =	sor.u32 s1, s0  }
0x44: {  	s0 =	sadd.s32 $0x8F2B, s0  }
0x45: {  	[sflag:s0] =	ssyncadd.remote.s32 $0x1  }
0x46: {  	_ =	sfence.sel $0xFFFF  }
0x47: {  	[dreg:$0x0] =	wrdreg $0xFFFFFFFF;
	(pc) =	sbr.abs _section_cstart, $3  }
0x48: {  	[dreg:$0x1] =	wrdreg $0xFFFFFFFF  }
0x49: {  	_ =	task.clear_ibuf [dreg:s24], $0x2FFFF;
	_ =	strace $0x9FFFFFFF  }
0x4a: {  	(tm) =	ssettm $0x7FFFFFFF  }
0x4b: {  	_ =	shalt  }
tec
execute0_lowered:
.L_overlay_start_1:
0x0: {  	(tag) =	ssettag $0x1  }
0x1: {  	s2 =	rddreg [dreg:$0x0]  }
0x2: {  	s3 =	rddreg [dreg:$0x1]  }
0x3: {  	s0 =	rddreg [dreg:$0x2];
	s4 =	srdreg.scid  }
.Ltmp0:
0x4: {  	_ =	strace $0x80000050;
	s1 =	stileid.u32;
	(pc) =	sbr.rel .LBB1_1-.Ltmp0, $4  }
0x5: {  	s6 =	simm.s32 $0x2;
	p0 =	por $0x0, $0x0;
	s5 =	sshll.u32 s4, $0x4  }
0x6: {  	s9 =	simm.s32 $0x0;
	s4 =	simm.s32 $0x1;
	s5 =	sand.u32 $0x10, s5  }
0x7: {  	s7 =	simm.s32 $0x0;
	[sflag:s4] =	ssyncpa.u1 $0x0;
	s5 =	sor.u32 s1, s5  }
0x8: {  	[sflag:s6] =	ssyncpa.u1 $0x0;
	s6 =	simm.s32 $0x0;
	s8 =	smov.u32 s5  }
.LBB1_7:
0x9: {  	s11 =	sadd.s32 $0x20, s8  }
0xa: {  	p1 =	slt.u32 s7, $0x2;
	s7 =	sadd.s32 $0x1, s7;
	p2 =	sgt.s32 s11, $0x7FF  }
0xb: {  	s11 =	smov.u32 @p2 s5;
	p2 =	sne.s32 s7, $0x42  }
.Ltmp1:
0xc: {  	_ = 	snop;
	(pc) =	sbr.rel @!p2 .LBB1_8-.Ltmp1, $4  }
0xd: {  	s10 =	simm.s32 @!p1 $0x2  }
0xe: {  	_ =	swait.ge @!p1 [sflag:s10], $0x4000  }
0xf: {  	s9 =	smov.u32 s8;
	[sflag:s10] =	ssyncset.done @!p1 $0x0  }
0x10: {  	p0 =	por !p0, !p0;
	s8 =	smov.u32 s11;
	[sflag:s10] =	ssyncadd.s32 @!p1 $0xFFFFC000  }
.LBB1_1:
0x11: {  	p1 =	sgt.u32 s7, $0x3F  }
0x12: {  	s10 =	sxor.u32 @!p1 $0xFFFFFFFF, s7  }
0x13: {  	s11 =	sshll.u32 @!p1 s8, $0xB;
	s10 =	sshll.u32 @!p1 s10, $0xE  }
0x14: {  	s12 =	simm.s32 @!p1 $0x0;
	s11 =	sadd.s32 @!p1 s2, s11;
	s10 =	sand.u32 @!p1 $0x4000, s10  }
0x15: {  	[tilespmem:s10], [sflag:$0x1] =	stream.linear.gather @!p1 [hbm4b:s11+s12], $0x4000, $0x38;
	[tilespmem:$0x10000] =	vst v63  }
0x16: {  	p1 =	seq.s32 s7, $0x0  }
0x17: {  	p2 =	seq.s32 @!p1 s7, $0x41  }
0x18: {  	p1 =	por p1, p2  }
.Ltmp2:
0x19: {  	_ = 	snop;
	(pc) =	sbr.rel @p1 .LBB1_7-.Ltmp2, $1  }
0x1a: {  	_ =	sdelay $0x3  }
0x1b: {  	s10 =	simm.s32 $0x1;
	_ =	swait.ge [sflag:s4], $0x4000;
	s12 =	sshll.u32 s7, $0xE  }
0x1c: {  	s13 =	simm.s32 $0x0;
	s10 =	simm.s32 @!p0 $0x0;
	[sflag:s4] =	ssyncset.done $0x0  }
0x1d: {  	s12 =	sand.u32 $0x4000, s12;
	s11 =	sshll.u32 s10, $0xE;
	[sflag:s4] =	ssyncadd.s32 $0xFFFFC000  }
0x1e: {  	s12 =	sor.u32 $0x8000, s12;
	s10 =	sor.u32 $0x8040, s11;
	s11 =	sor.u32 $0x40, s11  }
.LBB1_3:
0x1f: {  	v0 =	vmov s11;
	_ =	sdelay $0x3  }
0x20: {  	s15 =	simm.s32 $0x0  }
0x21: {  	v6 =	vld.idx.msk [tilespmem:v0+s15+$0x30 ss:$0x1], $0xffff  }
0x22: {  	v7 =	vld.idx.msk [tilespmem:v0+s15+$0xFFFFFFC0 ss:$0x1], $0xffff  }
0x23: {  	v5 =	vld.idx.msk [tilespmem:v0+s15+$0xFFFFFFD0 ss:$0x1], $0xffff  }
0x24: {  	v4 =	vld.idx.msk [tilespmem:v0+s15+$0xFFFFFFE0 ss:$0x1], $0xffff  }
0x25: {  	v3 =	vld.idx.msk [tilespmem:v0+s15+$0xFFFFFFF0 ss:$0x1], $0xffff  }
0x26: {  	v1 =	vld.idx.msk [tilespmem:v0+s15+$0x0 ss:$0x1], $0xffff  }
0x27: {  	v2 =	vld.idx.msk [tilespmem:v0+s15+$0x10 ss:$0x1], $0xffff;
	[tilespmem:s10+$0x30] =	vst v6  }
0x28: {  	s14 =	simm.s32 $0x80;
	s16 =	simm.s32 $0x400;
	[tilespmem:s10+$0xFFFFFFC0] =	vst v7;
	v6 =	vld.idx.msk [tilespmem:v0+s15+$0x20 ss:$0x1], $0xffff;
	s15 =	smov.u32 s10  }
.LBB1_4:
0x29: {  	p1 =	sne.s32 s16, $0xE00;
	v7 =	vld.idx.msk [tilespmem:v0+s14+$0x30 ss:$0x1], $0xffff;
	[tilespmem:s15+$0xFFFFFFD0] =	vst v5  }
0x2a: {  	v8 =	vld.idx.msk [tilespmem:v0+s14+$0xFFFFFFC0 ss:$0x1], $0xffff;
	[tilespmem:s15+$0xFFFFFFE0] =	vst v4  }
0x2b: {  	v5 =	vld.idx.msk [tilespmem:v0+s14+$0xFFFFFFD0 ss:$0x1], $0xffff;
	[tilespmem:s15+$0xFFFFFFF0] =	vst v3  }
.Ltmp3:
0x2c: {  	v4 =	vld.idx.msk [tilespmem:v0+s14+$0xFFFFFFE0 ss:$0x1], $0xffff;
	[tilespmem:s15+$0x0] =	vst v1;
	(pc) =	sbr.rel @p1 .LBB1_4-.Ltmp3, $4  }
0x2d: {  	v3 =	vld.idx.msk [tilespmem:v0+s14+$0xFFFFFFF0 ss:$0x1], $0xffff;
	[tilespmem:s15+$0x10] =	vst v2  }
0x2e: {  	v1 =	vld.idx.msk [tilespmem:v0+s14+$0x0 ss:$0x1], $0xffff;
	[tilespmem:s15+$0x20] =	vst v6;
	s15 =	sadd.s32 $0x800, s15  }
0x2f: {  	v2 =	vld.idx.msk [tilespmem:v0+s14+$0x10 ss:$0x1], $0xffff;
	[tilespmem:s15+$0x30] =	vst v7  }
0x30: {  	[tilespmem:s15+$0xFFFFFFC0] =	vst v8;
	v6 =	vld.idx.msk [tilespmem:v0+s14+$0x20 ss:$0x1], $0xffff;
	s14 =	sshra.s32 s16, $0x2;
	s16 =	sadd.s32 $0x200, s16  }
0x31: {  	_ =	sdelay $0x2  }
0x32: {  	[tilespmem:s15+$0xFFFFFFD0] =	vst v5  }
0x33: {  	v56 =	vld.idx.msk [tilespmem:v0+s14+$0x30 ss:$0x1], $0xffff;
	[tilespmem:s15+$0xFFFFFFE0] =	vst v4  }
0x34: {  	v57 =	vld.idx.msk [tilespmem:v0+s14+$0xFFFFFFC0 ss:$0x1], $0xffff;
	[tilespmem:s15+$0xFFFFFFF0] =	vst v3  }
0x35: {  	v58 =	vld.idx.msk [tilespmem:v0+s14+$0xFFFFFFD0 ss:$0x1], $0xffff;
	[tilespmem:s15+$0x0] =	vst v1  }
0x36: {  	v59 =	vld.idx.msk [tilespmem:v0+s14+$0xFFFFFFE0 ss:$0x1], $0xffff;
	[tilespmem:s15+$0x10] =	vst v2  }
0x37: {  	v60 =	vld.idx.msk [tilespmem:v0+s14+$0xFFFFFFF0 ss:$0x1], $0xffff;
	s31 =	sadd.s32 $0x800, s15;
	[tilespmem:s15+$0x20] =	vst v6  }
0x38: {  	v61 =	vld.idx.msk [tilespmem:v0+s14+$0x0 ss:$0x1], $0xffff;
	[tilespmem:s31+$0x30] =	vst v56  }
0x39: {  	v62 =	vld.idx.msk [tilespmem:v0+s14+$0x10 ss:$0x1], $0xffff;
	s13 =	sadd.s32 $0x1, s13;
	[tilespmem:s31+$0xFFFFFFC0] =	vst v57  }
0x3a: {  	v63 =	vld.idx.msk [tilespmem:v0+s14+$0x20 ss:$0x1], $0xffff;
	p1 =	sne.s32 s13, $0x10;
	[tilespmem:s31+$0xFFFFFFD0] =	vst v58  }
.Ltmp4:
0x3b: {  	[tilespmem:s31+$0xFFFFFFE0] =	vst v59;
	(pc) =	sbr.rel @p1 .LBB1_3-.Ltmp4, $4  }
0x3c: {  	[tilespmem:s31+$0xFFFFFFF0] =	vst v60  }
0x3d: {  	[tilespmem:s31+$0x0] =	vst v61  }
0x3e: {  	[tilespmem:s31+$0x10] =	vst v62  }
0x3f: {  	s10 =	sadd.s32 $0x80, s10;
	s11 =	sadd.s32 $0x400, s11;
	[tilespmem:s31+$0x20] =	vst v63  }
.Ltmp5:
0x40: {  	(pc) =	sbr.rel .LBB1_7-.Ltmp5, $4  }
0x41: {  	_ = 	snop  }
0x42: {  	s9 =	sshll.u32 s9, $0xB  }
0x43: {  	s9 =	sadd.s32 s3, s9  }
0x44: {  	[hbm4b:s9+s6] =	stream.linear.scatter [tilespmem:s12], [sflag:$0x2], $0x4000, $0x38;
	[tilespmem:$0x10000] =	vst v63  }
.LBB1_8:
0x45: {  	_ =	sfence.sel $0x180000  }
0x46: {  	s2 =	simm.s32 $0x1;
	[bflag:$0x0] =	sbarrier.arrive $0xFFFF  }
0x47: {  	s31 =	simm.s32 $0x2;
	[sflag:s2] =	ssyncpa.u1 $0x1  }
0x48: {  	[sflag:s31] =	ssyncpa.u1 $0x1  }
0x49: {  	p0 =	sne.s32 s1, $0x0;
	_ =	strace $0x90000050  }
0x4a: {  	s0 =	sadd.s32 @!p0 $0x100000, s0;
	[bflag:$0x2] =	sbarrier.arrive $0xFFFF  }
0x4b: {  	[sflag:s0] =	ssyncadd.tile.s32 @!p0 $0x1;
	_ =	shalt  }
.Lfunc_end1:
_tile_overlayer_lowered:
.L_overlay_start_2:
0x4c: {  	(tag) =	ssettag $0x2  }
0x4d: {  	s0 =	rddreg [dreg:$0x0];
	s2 =	stileid.u32  }
0x4e: {  	s1 =	rddreg [dreg:$0x1];
	p0 =	sne.s32 s2, $0x0  }
0x4f: {  	s3 =	rddreg [dreg:$0x2];
	[bflag:$0x3] =	sbarrier.arrive $0xFFFF;
	s2 =	simm.s32 @!p0 $0x1C01  }
0x50: {  	[timem:s3], [sflag:s2] =	dma.local @!p0 [hbm:s0], s1  }
0x51: {  	s0 =	simm.s32 @!p0 $0x1  }
0x52: {  	_ =	swait.ge @!p0 [sflag:s0], s1  }
0x53: {  	s1 =	ssub.s32 @!p0 $0x0, s1;
	[sflag:s0] =	ssyncset.done @!p0 $0x0  }
0x54: {  	[sflag:s0] =	ssyncadd.s32 @!p0 s1  }
0x55: {  	[bflag:$0x3] =	sbarrier.arrive $0xFFFF  }
0x56: {  	_ =	shalt  }

// kernel: sparse-core-data-format-call.cloned.1.call-start
scs
called_computation_lowered:
.L_overlay_start_0:
0x0: {  	s2 =	sld [smem:$0x3FD9]  }
0x1: {  	s3 =	sld [smem:$0x3FFE];
	_ =	sdelay $0x1  }
0x2: {  	s1 =	srdreg.scid  }
0x3: {  	s0 =	sand.u32 $0x1, s1  }
0x4: {  	s18 =	sshll.u32 s0, $0xA;
	s2 =	sadd.s32 s3, s2  }
0x5: {  	s2 =	sadd.s32 s2, s18  }
0x6: {  	[smem:$0x3FC5] =	sst s2  }
0x7: {  	_ = 	snop  }
0x8: {  	s19 =	sld [smem:$0x3FC8];
	(tm) =	ssettm $0x1  }
0x9: {  	s20 =	sld [smem:$0x3FFB];
	_ =	sdelay $0x3  }
0xa: {  	_ =	strace s20  }
0xb: {  	s2 =	sld [smem:$0x3FFC];
	_ =	sdelay $0x3  }
0xc: {  	_ =	strace s2  }
0xd: {  	s2 =	sld [smem:$0x3FFD];
	_ =	sdelay $0x3  }
0xe: {  	_ =	strace s2  }
0xf: {  	_ =	strace $0x8FFFFFFF  }
0x10: {  	s21 =	sld [smem:$0x3FDB];
	_ =	sdelay $0x1  }
0x11: {  	s4 =	simm.s32 $_scs_section_size  }
0x12: {  	s5 =	simm.s32 $_size__tile_overlayer_lowered;
	s6 =	simm.s32 $_tile_overlayer_lowered  }
0x13: {  	s7 =	simm.s32 $0x1BFF;
	s22 =	sshll.u32 s6, $0x1;
	s4 =	sadd.s32 s4, s21  }
0x14: {  	s23 =	simm.s32 $0x0;
	s5 =	sshll.u32 s5, $0x1;
	s6 =	sadd.s32 s22, s4  }
0x15: {  	[timem:s23], [sflag:s7] =	dma.local [hbm:s6], s5  }
0x16: {  	_ =	swait.ge [sflag:s7], s5  }
0x17: {  	s5 =	ssub.s32 $0x0, s5;
	[sflag:s7] =	ssyncset.done $0x0  }
0x18: {  	[sflag:s7] =	ssyncadd.s32 s5;
	_ =	sdelay $0x1  }
0x19: {  	s24 =	simm.s32 $0x1B8B  }
0x1a: {  	_ =	swait.ge [sflag:s24], $0x1  }
0x1b: {  	[sflag:s24] =	ssyncset.done $0x0  }
0x1c: {  	[sflag:s24] =	ssyncadd.s32 $0xFFFFFFFF  }
0x1d: {  	s5 =	sld [smem:$0x0]  }
0x1e: {  	s6 =	sand.u32 $0xFFFFFFFE, s1  }
0x1f: {  	p0 =	sne.s32 s1, s6  }
0x20: {  	s6 =	sshll.u32 @p0 s6, $0xE  }
0x21: {  	s6 =	sadd.s32 @p0 $0x11B8D, s6;
	s7 =	sshll.u32 @p0 s5, $0x11  }
0x22: {  	s6 =	sor.u32 @p0 s7, s6  }
0x23: {  	[sflag:s6] =	ssyncadd.remote.s32 @p0 $0x1;
	_ =	sdelay $0x1  }
0x24: {  	s6 =	simm.s32 @p0 $0x1B8D  }
0x25: {  	_ =	swait.eq @p0 [sflag:s6], $0x1  }
0x26: {  	[sflag:s6] =	ssyncadd.s32 @p0 $0xFFFFFFFF  }
0x27: {  	s7 =	sshll.u32 @!p0 s1, $0xE  }
0x28: {  	s7 =	sor.u32 @!p0 $0x4000, s7;
	s6 =	simm.s32 @!p0 $0x1B8D  }
0x29: {  	s5 =	sshll.u32 @!p0 s5, $0x11;
	s7 =	sadd.s32 @!p0 $0x11B8D, s7;
	_ =	swait.eq @!p0 [sflag:s6], $0x1  }
0x2a: {  	s5 =	sor.u32 @!p0 s5, s7;
	[sflag:s6] =	ssyncadd.s32 @!p0 $0xFFFFFFFF  }
0x2b: {  	s26 =	simm.s32 $0x1B8E;
	s25 =	sld [smem:$0x3FFE];
	[sflag:s5] =	ssyncadd.remote.s32 @!p0 $0x1  }
0x2c: {  	s27 =	simm.s32 $execute0_lowered;
	[smem:$0x3FD2] =	sst s26  }
0x2d: {  	s6 =	sshll.u32 s27, $0x1;
	_ =	strace $0x8000004C;
	[dreg:$0x1] =	wrdreg $0xFFFFFFFF  }
0x2e: {  	s28 =	simm.s32 $_size_execute0_lowered;
	s4 =	sadd.s32 s4, s6;
	[dreg:$0x0] =	wrdreg $0x0  }
0x2f: {  	s6 =	sshll.u32 s28, $0x1;
	[dreg:$0x2] =	wrdreg s4  }
0x30: {  	[dreg:$0x3] =	wrdreg s6  }
0x31: {  	[dreg:$0x4] =	wrdreg $0xC0  }
0x32: {  	_ =	task [dreg:s23], $0x5FFFF  }
0x33: {  	[dreg:$0x1] =	wrdreg $0xFFFFFFFF  }
0x34: {  	[dreg:$0x0] =	wrdreg $0x60  }
0x35: {  	[dreg:$0x2] =	wrdreg s19  }
0x36: {  	[dreg:$0x3] =	wrdreg s25  }
0x37: {  	[dreg:$0x4] =	wrdreg $0x9  }
0x38: {  	_ =	task.clear_ibuf [dreg:s23], $0x5FFFF;
	_ =	strace $0x9000004C  }
0x39: {  	s29 =	simm.s32 $0x9;
	_ =	strace $0x8000004E  }
0x3a: {  	_ =	swait.ge [sflag:s29], $0x1  }
0x3b: {  	[sflag:s29] =	ssyncadd.s32 $0xFFFFFFFF  }
0x3c: {  	_ =	strace $0x9000004E  }
0x3d: {  	_ =	sfence  }
0x3e: {  	s30 =	sld [smem:$0x0];
	_ =	sdelay $0x2  }
0x3f: {  	s31 =	sshll.u32 s1, $0xD;
	s1 =	sshrl.u32 s1, $0x2  }
0x40: {  	s4 =	sand.u32 $0x4000, s31;
	s1 =	sadd.s32 s1, s30  }
0x41: {  	s0 =	sor.u32 s4, s0;
	s1 =	sshll.u32 s1, $0x11  }
0x42: {  	s0 =	sor.u32 s1, s0  }
0x43: {  	s0 =	sadd.s32 $0x8F2B, s0  }
0x44: {  	[sflag:s0] =	ssyncadd.remote.s32 $0x1  }
0x45: {  	_ =	sfence.sel $0xFFFF  }
0x46: {  	[dreg:$0x0] =	wrdreg $0xFFFFFFFF;
	(pc) =	sbr.abs _section_cstart, $3  }
0x47: {  	[dreg:$0x1] =	wrdreg $0xFFFFFFFF  }
0x48: {  	_ =	task.clear_ibuf [dreg:s23], $0x2FFFF;
	_ =	strace $0x9FFFFFFF  }
0x49: {  	(tm) =	ssettm $0x7FFFFFFF  }
tec
execute0_lowered:
.L_overlay_start_1:
0x0: {  	(tag) =	ssettag $0x1  }
0x1: {  	s2 =	rddreg [dreg:$0x0]  }
0x2: {  	s1 =	rddreg [dreg:$0x1]  }
0x3: {  	s0 =	rddreg [dreg:$0x2];
	_ =	strace $0x8000004D;
	s4 =	srdreg.scid  }
.Ltmp0:
0x4: {  	s6 =	simm.s32 $0x2;
	p0 =	por $0x0, $0x0;
	(pc) =	sbr.rel .LBB1_1-.Ltmp0, $4  }
0x5: {  	s9 =	simm.s32 $0x0;
	s3 =	sadd.s32 $0x200E00, s1;
	s5 =	sshll.u32 s4, $0x4  }
0x6: {  	s1 =	stileid.u32;
	s4 =	simm.s32 $0x1;
	s5 =	sand.u32 $0x10, s5  }
0x7: {  	s7 =	simm.s32 $0x0;
	[sflag:s4] =	ssyncpa.u1 $0x0;
	s5 =	sor.u32 s1, s5  }
0x8: {  	[sflag:s6] =	ssyncpa.u1 $0x0;
	s6 =	simm.s32 $0x0;
	s8 =	smov.u32 s5  }
.LBB1_7:
0x9: {  	s11 =	sadd.s32 $0x20, s8  }
0xa: {  	p1 =	slt.u32 s7, $0x2;
	s7 =	sadd.s32 $0x1, s7;
	p2 =	sgt.s32 s11, $0x3FF  }
0xb: {  	s11 =	smov.u32 @p2 s5;
	p2 =	sne.s32 s7, $0x22  }
.Ltmp1:
0xc: {  	_ = 	snop;
	(pc) =	sbr.rel @!p2 .LBB1_8-.Ltmp1, $4  }
0xd: {  	s10 =	simm.s32 @!p1 $0x2  }
0xe: {  	_ =	swait.ge @!p1 [sflag:s10], $0x4000  }
0xf: {  	s9 =	smov.u32 s8;
	[sflag:s10] =	ssyncset.done @!p1 $0x0  }
0x10: {  	p0 =	por !p0, !p0;
	s8 =	smov.u32 s11;
	[sflag:s10] =	ssyncadd.s32 @!p1 $0xFFFFC000  }
.LBB1_1:
0x11: {  	p1 =	sgt.u32 s7, $0x1F  }
0x12: {  	s10 =	sxor.u32 @!p1 $0xFFFFFFFF, s7  }
0x13: {  	s11 =	sshll.u32 @!p1 s8, $0xB;
	s10 =	sshll.u32 @!p1 s10, $0xE  }
0x14: {  	s12 =	simm.s32 @!p1 $0x0;
	s11 =	sadd.s32 @!p1 s2, s11;
	s10 =	sand.u32 @!p1 $0x4000, s10  }
0x15: {  	[tilespmem:s10], [sflag:$0x1] =	stream.linear.gather @!p1 [hbm4b:s11+s12], $0x4000, $0x38;
	[tilespmem:$0x10000] =	vst v63  }
0x16: {  	p1 =	seq.s32 s7, $0x0  }
0x17: {  	p2 =	seq.s32 @!p1 s7, $0x21  }
0x18: {  	p1 =	por p1, p2  }
.Ltmp2:
0x19: {  	_ = 	snop;
	(pc) =	sbr.rel @p1 .LBB1_7-.Ltmp2, $1  }
0x1a: {  	_ =	sdelay $0x3  }
0x1b: {  	s10 =	simm.s32 $0x1;
	_ =	swait.ge [sflag:s4], $0x4000;
	s12 =	sshll.u32 s7, $0xE  }
0x1c: {  	s13 =	simm.s32 $0x0;
	s10 =	simm.s32 @!p0 $0x0;
	[sflag:s4] =	ssyncset.done $0x0  }
0x1d: {  	s12 =	sand.u32 $0x4000, s12;
	s11 =	sshll.u32 s10, $0xE;
	[sflag:s4] =	ssyncadd.s32 $0xFFFFC000  }
0x1e: {  	s12 =	sor.u32 $0x8000, s12;
	s10 =	sor.u32 $0x8040, s11;
	s11 =	sor.u32 $0x40, s11  }
.LBB1_3:
0x1f: {  	v0 =	vmov s11;
	_ =	sdelay $0x3  }
0x20: {  	s15 =	simm.s32 $0x0  }
0x21: {  	v6 =	vld.idx.msk [tilespmem:v0+s15+$0x30 ss:$0x1], $0xffff  }
0x22: {  	v7 =	vld.idx.msk [tilespmem:v0+s15+$0xFFFFFFC0 ss:$0x1], $0xffff  }
0x23: {  	v5 =	vld.idx.msk [tilespmem:v0+s15+$0xFFFFFFD0 ss:$0x1], $0xffff  }
0x24: {  	v4 =	vld.idx.msk [tilespmem:v0+s15+$0xFFFFFFE0 ss:$0x1], $0xffff  }
0x25: {  	v3 =	vld.idx.msk [tilespmem:v0+s15+$0xFFFFFFF0 ss:$0x1], $0xffff  }
0x26: {  	v1 =	vld.idx.msk [tilespmem:v0+s15+$0x0 ss:$0x1], $0xffff  }
0x27: {  	v2 =	vld.idx.msk [tilespmem:v0+s15+$0x10 ss:$0x1], $0xffff;
	[tilespmem:s10+$0x30] =	vst v6  }
0x28: {  	s14 =	simm.s32 $0x80;
	s16 =	simm.s32 $0x400;
	[tilespmem:s10+$0xFFFFFFC0] =	vst v7;
	v6 =	vld.idx.msk [tilespmem:v0+s15+$0x20 ss:$0x1], $0xffff;
	s15 =	smov.u32 s10  }
.LBB1_4:
0x29: {  	p1 =	sne.s32 s16, $0xE00;
	v7 =	vld.idx.msk [tilespmem:v0+s14+$0x30 ss:$0x1], $0xffff;
	[tilespmem:s15+$0xFFFFFFD0] =	vst v5  }
0x2a: {  	v8 =	vld.idx.msk [tilespmem:v0+s14+$0xFFFFFFC0 ss:$0x1], $0xffff;
	[tilespmem:s15+$0xFFFFFFE0] =	vst v4  }
0x2b: {  	v5 =	vld.idx.msk [tilespmem:v0+s14+$0xFFFFFFD0 ss:$0x1], $0xffff;
	[tilespmem:s15+$0xFFFFFFF0] =	vst v3  }
.Ltmp3:
0x2c: {  	v4 =	vld.idx.msk [tilespmem:v0+s14+$0xFFFFFFE0 ss:$0x1], $0xffff;
	[tilespmem:s15+$0x0] =	vst v1;
	(pc) =	sbr.rel @p1 .LBB1_4-.Ltmp3, $4  }
0x2d: {  	v3 =	vld.idx.msk [tilespmem:v0+s14+$0xFFFFFFF0 ss:$0x1], $0xffff;
	[tilespmem:s15+$0x10] =	vst v2  }
0x2e: {  	v1 =	vld.idx.msk [tilespmem:v0+s14+$0x0 ss:$0x1], $0xffff;
	[tilespmem:s15+$0x20] =	vst v6;
	s15 =	sadd.s32 $0x800, s15  }
0x2f: {  	v2 =	vld.idx.msk [tilespmem:v0+s14+$0x10 ss:$0x1], $0xffff;
	[tilespmem:s15+$0x30] =	vst v7  }
0x30: {  	[tilespmem:s15+$0xFFFFFFC0] =	vst v8;
	v6 =	vld.idx.msk [tilespmem:v0+s14+$0x20 ss:$0x1], $0xffff;
	s14 =	sshra.s32 s16, $0x2;
	s16 =	sadd.s32 $0x200, s16  }
0x31: {  	_ =	sdelay $0x2  }
0x32: {  	[tilespmem:s15+$0xFFFFFFD0] =	vst v5  }
0x33: {  	v56 =	vld.idx.msk [tilespmem:v0+s14+$0x30 ss:$0x1], $0xffff;
	[tilespmem:s15+$0xFFFFFFE0] =	vst v4  }
0x34: {  	v57 =	vld.idx.msk [tilespmem:v0+s14+$0xFFFFFFC0 ss:$0x1], $0xffff;
	[tilespmem:s15+$0xFFFFFFF0] =	vst v3  }
0x35: {  	v58 =	vld.idx.msk [tilespmem:v0+s14+$0xFFFFFFD0 ss:$0x1], $0xffff;
	[tilespmem:s15+$0x0] =	vst v1  }
0x36: {  	v59 =	vld.idx.msk [tilespmem:v0+s14+$0xFFFFFFE0 ss:$0x1], $0xffff;
	[tilespmem:s15+$0x10] =	vst v2  }
0x37: {  	v60 =	vld.idx.msk [tilespmem:v0+s14+$0xFFFFFFF0 ss:$0x1], $0xffff;
	s31 =	sadd.s32 $0x800, s15;
	[tilespmem:s15+$0x20] =	vst v6  }
0x38: {  	v61 =	vld.idx.msk [tilespmem:v0+s14+$0x0 ss:$0x1], $0xffff;
	[tilespmem:s31+$0x30] =	vst v56  }
0x39: {  	v62 =	vld.idx.msk [tilespmem:v0+s14+$0x10 ss:$0x1], $0xffff;
	s13 =	sadd.s32 $0x1, s13;
	[tilespmem:s31+$0xFFFFFFC0] =	vst v57  }
0x3a: {  	v63 =	vld.idx.msk [tilespmem:v0+s14+$0x20 ss:$0x1], $0xffff;
	p1 =	sne.s32 s13, $0x10;
	[tilespmem:s31+$0xFFFFFFD0] =	vst v58  }
.Ltmp4:
0x3b: {  	[tilespmem:s31+$0xFFFFFFE0] =	vst v59;
	(pc) =	sbr.rel @p1 .LBB1_3-.Ltmp4, $4  }
0x3c: {  	[tilespmem:s31+$0xFFFFFFF0] =	vst v60  }
0x3d: {  	[tilespmem:s31+$0x0] =	vst v61  }
0x3e: {  	[tilespmem:s31+$0x10] =	vst v62  }
0x3f: {  	s10 =	sadd.s32 $0x80, s10;
	s11 =	sadd.s32 $0x400, s11;
	[tilespmem:s31+$0x20] =	vst v63  }
.Ltmp5:
0x40: {  	(pc) =	sbr.rel .LBB1_7-.Ltmp5, $4  }
0x41: {  	_ = 	snop  }
0x42: {  	s9 =	sshll.u32 s9, $0xB  }
0x43: {  	s9 =	sadd.s32 s3, s9  }
0x44: {  	[hbm4b:s9+s6] =	stream.linear.scatter [tilespmem:s12], [sflag:$0x2], $0x4000, $0x38;
	[tilespmem:$0x10000] =	vst v63  }
.LBB1_8:
0x45: {  	_ =	sfence.sel $0x180000  }
0x46: {  	s2 =	simm.s32 $0x1;
	[bflag:$0x0] =	sbarrier.arrive $0xFFFF  }
0x47: {  	s31 =	simm.s32 $0x2;
	[sflag:s2] =	ssyncpa.u1 $0x1  }
0x48: {  	[sflag:s31] =	ssyncpa.u1 $0x1  }
0x49: {  	p0 =	sne.s32 s1, $0x0;
	_ =	strace $0x9000004D  }
0x4a: {  	s0 =	sadd.s32 @!p0 $0x100000, s0;
	[bflag:$0x2] =	sbarrier.arrive $0xFFFF  }
0x4b: {  	[sflag:s0] =	ssyncadd.tile.s32 @!p0 $0x1;
	_ =	shalt  }
.Lfunc_end1:
_tile_overlayer_lowered:
.L_overlay_start_2:
0x4c: {  	(tag) =	ssettag $0x2  }
0x4d: {  	s0 =	rddreg [dreg:$0x0];
	s2 =	stileid.u32  }
0x4e: {  	s1 =	rddreg [dreg:$0x1];
	p0 =	sne.s32 s2, $0x0  }
0x4f: {  	s3 =	rddreg [dreg:$0x2];
	[bflag:$0x3] =	sbarrier.arrive $0xFFFF;
	s2 =	simm.s32 @!p0 $0x1C01  }
0x50: {  	[timem:s3], [sflag:s2] =	dma.local @!p0 [hbm:s0], s1  }
0x51: {  	s0 =	simm.s32 @!p0 $0x1  }
0x52: {  	_ =	swait.ge @!p0 [sflag:s0], s1  }
0x53: {  	s1 =	ssub.s32 @!p0 $0x0, s1;
	[sflag:s0] =	ssyncset.done @!p0 $0x0  }
0x54: {  	[sflag:s0] =	ssyncadd.s32 @!p0 s1  }
0x55: {  	[bflag:$0x3] =	sbarrier.arrive $0xFFFF  }
0x56: {  	_ =	shalt  }

</sc_bundles>
